<compile_context>
chip_gen: v7x
topology: tpu7x:2x2x1
jax: 0.10.2.dev20260603
libtpu: 0.0.44.dev20260713+nightly
codegen_flags: <defaults>
</compile_context>

<pallas_src>
import jax
import jax.numpy as jnp
from jax import lax
from jax.experimental import pallas as pl
from jax.experimental.pallas import tpu as pltpu
from jax.experimental.pallas import tpu_sc as plsc

N = 10000
E = 320000
IN = 128
HID2 = 256
OUT = 64

NC = 2
NS = 16
NP = 10112
RPT = NP // NS
B = 128

EPAD = ((E + NC * NS * 2 * B - 1) // (NC * NS * 2 * B)) * (NC * NS * 2 * B)


def _sc_mesh():
    return plsc.VectorSubcoreMesh(
        core_axis_name="c", subcore_axis_name="s", num_cores=NC, num_subcores=NS
    )


KB = 16


def _deg_body(adj, ones_hbm, zeros_hbm, out, d0, d1, ones_v, acc, i0, i1, ss):
    c = lax.axis_index("c")
    s = lax.axis_index("s")
    ept = EPAD // (NS * NC)
    ebase = (s * NC + c) * ept

    pltpu.sync_copy(zeros_hbm, acc.at[pl.ds(s * RPT, RPT)])
    pltpu.sync_copy(ones_hbm, ones_v)
    plsc.subcore_barrier()

    pltpu.async_copy(adj.at[1, pl.ds(EPAD - B, B)], d1, i1)
    pltpu.make_async_copy(adj.at[1, pl.ds(EPAD - B, B)], d1, i1).wait()
    pltpu.async_copy(ones_v, acc.at[d1], ss, add=True)

    def pair(t, carry):
        a = ebase + t * 2 * B
        b = a + B
        pltpu.async_copy(adj.at[1, pl.ds(a, B)], d0, i0)
        pltpu.make_async_copy(ones_v, acc.at[d1], ss).wait()
        pltpu.async_copy(adj.at[1, pl.ds(b, B)], d1, i1)
        pltpu.make_async_copy(adj.at[1, pl.ds(a, B)], d0, i0).wait()
        pltpu.async_copy(ones_v, acc.at[d0], ss, add=True)
        pltpu.make_async_copy(adj.at[1, pl.ds(b, B)], d1, i1).wait()
        pltpu.make_async_copy(ones_v, acc.at[d0], ss).wait()
        pltpu.async_copy(ones_v, acc.at[d1], ss, add=True)
        return carry

    lax.fori_loop(0, ept // (2 * B), pair, 0)
    pltpu.make_async_copy(ones_v, acc.at[d1], ss).wait()
    plsc.subcore_barrier()
    pltpu.sync_copy(acc.at[pl.ds(s * RPT, RPT)], out.at[c, pl.ds(s * RPT, RPT)])


def _deg_call(adj_pad, ones_b, zeros_c):
    return pl.kernel(
        _deg_body,
        out_type=jax.ShapeDtypeStruct((NC, NP, IN), jnp.float32),
        mesh=_sc_mesh(),
        scratch_types=[
            pltpu.VMEM((B,), jnp.int32),
            pltpu.VMEM((B,), jnp.int32),
            pltpu.VMEM((B, IN), jnp.float32),
            pltpu.VMEM_SHARED((NP, IN), jnp.float32),
            pltpu.SemaphoreType.DMA,
            pltpu.SemaphoreType.DMA,
            pltpu.SemaphoreType.DMA,
        ],
    )(adj_pad, ones_b, zeros_c)


def _prop_body(uh, adj, zeros_hbm, out,
               sr0, sr1, d0, d1, r0, r1, acc, i0, i1, g0, g1, ss):
    c = lax.axis_index("c")
    s = lax.axis_index("s")
    ept = EPAD // (NS * NC)
    ebase = (s * NC + c) * ept

    pltpu.sync_copy(zeros_hbm, acc.at[pl.ds(s * RPT, RPT)])
    plsc.subcore_barrier()

    pltpu.async_copy(adj.at[1, pl.ds(EPAD - B, B)], d1, i1)
    pltpu.make_async_copy(adj.at[1, pl.ds(EPAD - B, B)], d1, i1).wait()
    pltpu.async_copy(r1, acc.at[d1], ss, add=True)

    def pair(t, carry):
        a = ebase + t * 2 * B
        b = a + B
        pltpu.async_copy(adj.at[0, pl.ds(a, B)], sr0, i0)
        pltpu.async_copy(adj.at[1, pl.ds(a, B)], d0, i0)
        pltpu.make_async_copy(r1, acc.at[d1], ss).wait()
        pltpu.async_copy(adj.at[0, pl.ds(b, B)], sr1, i1)
        pltpu.async_copy(adj.at[1, pl.ds(b, B)], d1, i1)
        pltpu.make_async_copy(adj.at[0, pl.ds(a, B)], sr0, i0).wait()
        pltpu.make_async_copy(adj.at[1, pl.ds(a, B)], d0, i0).wait()
        pltpu.async_copy(uh.at[sr0], r0, g0)
        pltpu.make_async_copy(adj.at[0, pl.ds(b, B)], sr1, i1).wait()
        pltpu.make_async_copy(adj.at[1, pl.ds(b, B)], d1, i1).wait()
        pltpu.async_copy(uh.at[sr1], r1, g1)
        pltpu.make_async_copy(uh.at[sr0], r0, g0).wait()
        pltpu.async_copy(r0, acc.at[d0], ss, add=True)
        pltpu.make_async_copy(uh.at[sr1], r1, g1).wait()
        pltpu.make_async_copy(r0, acc.at[d0], ss).wait()
        pltpu.async_copy(r1, acc.at[d1], ss, add=True)
        return carry

    lax.fori_loop(0, ept // (2 * B), pair, 0)
    pltpu.make_async_copy(r1, acc.at[d1], ss).wait()
    plsc.subcore_barrier()
    pltpu.sync_copy(acc.at[pl.ds(s * RPT, RPT)], out.at[c, pl.ds(s * RPT, RPT)])


def _prop_call(uh, adj_pad, zeros_c):
    return pl.kernel(
        _prop_body,
        out_type=jax.ShapeDtypeStruct((NC, NP, IN), jnp.float32),
        mesh=_sc_mesh(),
        scratch_types=[
            pltpu.VMEM((B,), jnp.int32),
            pltpu.VMEM((B,), jnp.int32),
            pltpu.VMEM((B,), jnp.int32),
            pltpu.VMEM((B,), jnp.int32),
            pltpu.VMEM((B, IN), jnp.float32),
            pltpu.VMEM((B, IN), jnp.float32),
            pltpu.VMEM_SHARED((NP, IN), jnp.float32),
            pltpu.SemaphoreType.DMA,
            pltpu.SemaphoreType.DMA,
            pltpu.SemaphoreType.DMA,
            pltpu.SemaphoreType.DMA,
            pltpu.SemaphoreType.DMA,
        ],
    )(uh, adj_pad, zeros_c)


BR = 1000


def _ux_body(x_ref, degp_ref, ux_ref, dinv_ref):
    deg = degp_ref[0, :, 0:1] + degp_ref[1, :, 0:1] + 1.0
    dinv = lax.rsqrt(deg)
    ux_ref[...] = x_ref[...] * dinv
    dinv_ref[...] = dinv


def _ux_call(x, degp):
    return pl.pallas_call(
        _ux_body,
        grid=(N // BR,),
        in_specs=[
            pl.BlockSpec((BR, IN), lambda i: (i, 0)),
            pl.BlockSpec((NC, BR, IN), lambda i: (0, i, 0)),
        ],
        out_specs=[
            pl.BlockSpec((BR, IN), lambda i: (i, 0)),
            pl.BlockSpec((BR, 1), lambda i: (i, 0)),
        ],
        out_shape=[
            jax.ShapeDtypeStruct((N, IN), jnp.float32),
            jax.ShapeDtypeStruct((N, 1), jnp.float32),
        ],
    )(x, degp)


def _hz2_body(px_ref, ux_ref, dinv_ref, b1_ref, w1_ref, wc_ref, u2_ref):
    dinv = dinv_ref[...]
    ax = (px_ref[0, :, :] + px_ref[1, :, :] + ux_ref[...]) * dinv
    h = jnp.maximum(
        jnp.dot(ax, w1_ref[...], preferred_element_type=jnp.float32)
        + b1_ref[...],
        0.0,
    )
    z2 = jnp.dot(h, wc_ref[...], preferred_element_type=jnp.float32)
    u2_ref[...] = z2 * dinv


def _hz2_call(Px, ux, dinv, b1, W1, Wc):
    return pl.pallas_call(
        _hz2_body,
        grid=(N // BR,),
        in_specs=[
            pl.BlockSpec((NC, BR, IN), lambda i: (0, i, 0)),
            pl.BlockSpec((BR, IN), lambda i: (i, 0)),
            pl.BlockSpec((BR, 1), lambda i: (i, 0)),
            pl.BlockSpec((1, HID2), lambda i: (0, 0)),
            pl.BlockSpec((IN, HID2), lambda i: (0, 0)),
            pl.BlockSpec((HID2, 2 * OUT), lambda i: (0, 0)),
        ],
        out_specs=pl.BlockSpec((BR, 2 * OUT), lambda i: (i, 0)),
        out_shape=jax.ShapeDtypeStruct((N, 2 * OUT), jnp.float32),
    )(Px, ux, dinv, b1, W1, Wc)


def _out_body(p2_ref, u2_ref, dinv_ref, bc_ref, o_ref):
    pre = p2_ref[0, :, :] + p2_ref[1, :, :] + u2_ref[...]
    o_ref[...] = jnp.maximum(pre * dinv_ref[...] + bc_ref[...], 0.0)


def _out_call(P2, u2, dinv, bc):
    return pl.pallas_call(
        _out_body,
        grid=(N // BR,),
        in_specs=[
            pl.BlockSpec((NC, BR, 2 * OUT), lambda i: (0, i, 0)),
            pl.BlockSpec((BR, 2 * OUT), lambda i: (i, 0)),
            pl.BlockSpec((BR, 1), lambda i: (i, 0)),
            pl.BlockSpec((1, 2 * OUT), lambda i: (0, 0)),
        ],
        out_specs=pl.BlockSpec((BR, 2 * OUT), lambda i: (i, 0)),
        out_shape=jax.ShapeDtypeStruct((N, 2 * OUT), jnp.float32),
    )(P2, u2, dinv, bc)


def kernel(x, adj, W1, b1, Wmu, bmu, Ws, bs):
    pidx = jnp.arange(EPAD - E, dtype=jnp.int32)
    pad_edges = jnp.stack([pidx % N, N + pidx % (NP - N)])
    adj_pad = jnp.concatenate([adj, pad_edges], axis=1)

    zeros128 = jnp.zeros((RPT, IN), jnp.float32)
    ones_b = jnp.ones((B, IN), jnp.float32)
    Wc = jnp.concatenate([Wmu, Ws], axis=1)
    bc = jnp.concatenate([bmu, bs]).reshape(1, 2 * OUT)
    b1r = b1.reshape(1, HID2)

    degp = _deg_call(adj_pad, ones_b, zeros128)
    ux, dinv = _ux_call(x, degp)
    Px = _prop_call(ux, adj_pad, zeros128)
    u2 = _hz2_call(Px[:, :N, :], ux, dinv, b1r, W1, Wc)
    P2 = _prop_call(u2, adj_pad, zeros128)
    o = _out_call(P2[:, :N, :], u2, dinv, bc)
    return (o[:, :OUT], o[:, OUT:])

# --- scband reference (transcript-rebuilt; emitter-appended) ---
"""Pipeline reference for scband-vgae-encoder-17712445128878 (READ-ONLY COPY).

The authoritative reference and input builder live on the scoring server;
editing this copy changes nothing except your own understanding.
"""

import jax, jax.numpy as jnp
import numpy as np

N = 10000
E = 320000
IN = 128
HID2 = 256  # hidden_channels * 2
OUT = 64


def _glorot(key, fan_in, fan_out):
    limit = float(np.sqrt(6.0 / (fan_in + fan_out)))
    return jax.random.uniform(key, (fan_in, fan_out), dtype=jnp.float32, minval=-limit, maxval=limit)


def setup_inputs(seed: int = 0) -> dict:
    key = jax.random.key(seed)
    ks = jax.random.split(key, 8)
    x = jax.random.normal(ks[0], (N, IN), dtype=jnp.float32)
    adj = jax.random.randint(ks[1], (2, E), 0, N, dtype=jnp.int32)
    W1 = _glorot(ks[2], IN, HID2)
    b1 = jnp.zeros((HID2,), dtype=jnp.float32)
    Wmu = _glorot(ks[3], HID2, OUT)
    bmu = jnp.zeros((OUT,), dtype=jnp.float32)
    Ws = _glorot(ks[4], HID2, OUT)
    bs = jnp.zeros((OUT,), dtype=jnp.float32)
    return {"x": x, "adj": adj, "W1": W1, "b1": b1, "Wmu": Wmu, "bmu": bmu, "Ws": Ws, "bs": bs}


def _gcn_conv(x, src, dst, W, b):
    # GCNConv with add_self_loops=True and symmetric normalization:
    # out = D^{-1/2} (A + I) D^{-1/2} X W + b
    h = x @ W
    loop = jnp.arange(N, dtype=src.dtype)
    s = jnp.concatenate([src, loop])
    d = jnp.concatenate([dst, loop])
    deg = jax.ops.segment_sum(jnp.ones_like(s, dtype=h.dtype), d, num_segments=N)
    dinv = jnp.where(deg > 0, jax.lax.rsqrt(deg), 0.0)
    norm = dinv[s] * dinv[d]
    msg = h[s] * norm[:, None]
    out = jax.ops.segment_sum(msg, d, num_segments=N)
    return out + b


def reference(x, adj, W1, b1, Wmu, bmu, Ws, bs):
    src = adj[0]
    dst = adj[1]
    # conv -> relu -> dropout(eval: identity)
    h = _gcn_conv(x, src, dst, W1, b1)
    h = jax.nn.relu(h)
    # mu head
    x_mu = _gcn_conv(h, src, dst, Wmu, bmu)
    x_mu = jax.nn.relu(x_mu)
    # logstd head
    x_s = _gcn_conv(h, src, dst, Ws, bs)
    x_s = jax.nn.relu(x_s)
    return (x_mu, x_s)

if __name__ == "__main__":
    import jax
    _d = setup_inputs()
    print(jax.jit(kernel)(*tuple(_d.values())))

</pallas_src>

<mosaic_0001>
#map = affine_map<(d0, d1) -> (0, 0)>
#map1 = affine_map<(d0, d1) -> (0, 0, 0)>
module attributes {stable_mosaic.version = 14 : i64} {
  func.func @_deg_body(%arg0: i32, %arg1: i32, %arg2: memref<2x327680xi32, #tpu.memory_space<hbm>>, %arg3: memref<128x128xf32, #tpu.memory_space<hbm>>, %arg4: memref<632x128xf32, #tpu.memory_space<hbm>>, %arg5: memref<2x10112x128xf32, #tpu.memory_space<hbm>>, %arg6: memref<128xi32, #tpu.memory_space<vmem>>, %arg7: memref<128xi32, #tpu.memory_space<vmem>>, %arg8: memref<128x128xf32, #tpu.memory_space<vmem>>, %arg9: memref<10112x128xf32, #tpu.memory_space<vmem_shared>>, %arg10: memref<!tpu.dma_semaphore, #tpu.memory_space<semaphore_mem>>, %arg11: memref<!tpu.dma_semaphore, #tpu.memory_space<semaphore_mem>>, %arg12: memref<!tpu.dma_semaphore, #tpu.memory_space<semaphore_mem>>) attributes {dimension_semantics = [#tpu.dimension_semantics<core_parallel>, #tpu.dimension_semantics<subcore_parallel>], iteration_bounds = array<i64: 2, 16>, scalar_prefetch = 0 : i64, scratch_operands = 7 : i64, tpu.core_type = #tpu.core_type<sc_vector_subcore>, window_params = [{transform_indices = #map}, {transform_indices = #map}, {transform_indices = #map}, {transform_indices = #map1}]} {
    %mul3A = arith.constant 2 : i32
    %mul3A_0 = arith.muli %arg1, %mul3A : i32
    %add3A = arith.addi %mul3A_0, %arg0 : i32
    %mul3A_1 = arith.constant 10240 : i32
    %mul3A_2 = arith.muli %add3A, %mul3A_1 : i32
    %mul3A_3 = arith.constant 632 : i32
    %mul3A_4 = arith.muli %arg1, %mul3A_3 : i32
    "tpu.region"() ({
      %run_scoped3A = tpu.sem_alloc : memref<!tpu.dma_semaphore, #tpu.memory_space<semaphore_mem>>
      %dma_start3A_33 = arith.constant 0 : i32
      %dma_start3A_34 = tpu.memref_slice %arg9[%mul3A_4, %dma_start3A_33] : memref<10112x128xf32, #tpu.memory_space<vmem_shared>> -> memref<632x128xf32, #tpu.memory_space<vmem_shared>>
      tpu.enqueue_dma source(%arg4 : memref<632x128xf32, #tpu.memory_space<hbm>>) target(%dma_start3A_34 : memref<632x128xf32, #tpu.memory_space<vmem_shared>>) target_semaphore(%run_scoped3A : memref<!tpu.dma_semaphore, #tpu.memory_space<semaphore_mem>>)
      %dma_wait3A_35 = arith.constant 0 : i32
      %dma_wait3A_36 = tpu.memref_slice %arg9[%mul3A_4, %dma_wait3A_35] : memref<10112x128xf32, #tpu.memory_space<vmem_shared>> -> memref<632x128xf32, #tpu.memory_space<vmem_shared>>
      tpu.wait_dma2 semaphore(%run_scoped3A : memref<!tpu.dma_semaphore, #tpu.memory_space<semaphore_mem>>) src(%arg4 : memref<632x128xf32, #tpu.memory_space<hbm>>) dst(%dma_wait3A_36 : memref<632x128xf32, #tpu.memory_space<vmem_shared>>)
      tpu.yield
    }) : () -> ()
    "tpu.region"() ({
      %run_scoped3A = tpu.sem_alloc : memref<!tpu.dma_semaphore, #tpu.memory_space<semaphore_mem>>
      tpu.enqueue_dma source(%arg3 : memref<128x128xf32, #tpu.memory_space<hbm>>) target(%arg8 : memref<128x128xf32, #tpu.memory_space<vmem>>) target_semaphore(%run_scoped3A : memref<!tpu.dma_semaphore, #tpu.memory_space<semaphore_mem>>)
      tpu.wait_dma2 semaphore(%run_scoped3A : memref<!tpu.dma_semaphore, #tpu.memory_space<semaphore_mem>>) src(%arg3 : memref<128x128xf32, #tpu.memory_space<hbm>>) dst(%arg8 : memref<128x128xf32, #tpu.memory_space<vmem>>)
      tpu.yield
    }) : () -> ()
    %barrier3A = arith.constant 0 : index
    tpu.barrier barrier_id(%barrier3A)
    %dma_start3A = arith.constant 1 : i32
    %dma_start3A_5 = arith.constant 327552 : i32
    %dma_start3A_6 = tpu.memref_slice %arg2[%dma_start3A, %dma_start3A_5] : memref<2x327680xi32, #tpu.memory_space<hbm>> -> memref<1x128xi32, #tpu.memory_space<hbm>>
    %dma_start3A_7 = tpu.memref_squeeze %dma_start3A_6 : memref<1x128xi32, #tpu.memory_space<hbm>> -> memref<128xi32, #tpu.memory_space<hbm>>
    %dma_start3A_8 = arith.constant 327552 : i32
    %dma_start3A_9 = tpu.memref_slice %arg2[%dma_start3A, %dma_start3A_8] : memref<2x327680xi32, #tpu.memory_space<hbm>> -> memref<1x128xi32, #tpu.memory_space<hbm>>
    %dma_start3A_10 = tpu.memref_squeeze %dma_start3A_9 : memref<1x128xi32, #tpu.memory_space<hbm>> -> memref<128xi32, #tpu.memory_space<hbm>>
    tpu.enqueue_dma source(%dma_start3A_10 : memref<128xi32, #tpu.memory_space<hbm>>) target(%arg7 : memref<128xi32, #tpu.memory_space<vmem>>) target_semaphore(%arg11 : memref<!tpu.dma_semaphore, #tpu.memory_space<semaphore_mem>>)
    %dma_wait3A = arith.constant 1 : i32
    %dma_wait3A_11 = arith.constant 327552 : i32
    %dma_wait3A_12 = tpu.memref_slice %arg2[%dma_wait3A, %dma_wait3A_11] : memref<2x327680xi32, #tpu.memory_space<hbm>> -> memref<1x128xi32, #tpu.memory_space<hbm>>
    %dma_wait3A_13 = tpu.memref_squeeze %dma_wait3A_12 : memref<1x128xi32, #tpu.memory_space<hbm>> -> memref<128xi32, #tpu.memory_space<hbm>>
    %dma_wait3A_14 = arith.constant 327552 : i32
    %dma_wait3A_15 = tpu.memref_slice %arg2[%dma_wait3A, %dma_wait3A_14] : memref<2x327680xi32, #tpu.memory_space<hbm>> -> memref<1x128xi32, #tpu.memory_space<hbm>>
    %dma_wait3A_16 = tpu.memref_squeeze %dma_wait3A_15 : memref<1x128xi32, #tpu.memory_space<hbm>> -> memref<128xi32, #tpu.memory_space<hbm>>
    tpu.wait_dma2 semaphore(%arg11 : memref<!tpu.dma_semaphore, #tpu.memory_space<semaphore_mem>>) src(%dma_wait3A_16 : memref<128xi32, #tpu.memory_space<hbm>>) dst(%arg7 : memref<128xi32, #tpu.memory_space<vmem>>)
    %dma_start3A_17 = arith.constant 0 : i32
    %dma_start3A_18 = arith.constant 0 : i32
    %dma_start3A_19 = tpu.memref_slice %arg9[%dma_start3A_17, %dma_start3A_18] : memref<10112x128xf32, #tpu.memory_space<vmem_shared>> -> memref<10112x128xf32, #tpu.memory_space<vmem_shared>>
    tpu.enqueue_indirect_dma source(%arg8 : memref<128x128xf32, #tpu.memory_space<vmem>>) target(%dma_start3A_19 : memref<10112x128xf32, #tpu.memory_space<vmem_shared>>) offsets(%arg7 : memref<128xi32, #tpu.memory_space<vmem>>) semaphore(%arg12 : memref<!tpu.dma_semaphore, #tpu.memory_space<semaphore_mem>>) {add = true}
    %scan3A = arith.constant 0 : i32
    %scan3A_20 = arith.constant 0 : i32
    %scan3A_21 = arith.constant 40 : i32
    %scan3A_22 = arith.addi %scan3A_20, %scan3A_21 : i32
    %scan3A_23 = arith.constant 1 : i32
    scf.for %scan3A_33 = %scan3A_20 to %scan3A_22 step %scan3A_23  : i32 {
      %mul3A_34 = arith.constant 2 : i32
      %mul3A_35 = arith.muli %scan3A_33, %mul3A_34 : i32
      %mul3A_36 = arith.constant 128 : i32
      %mul3A_37 = arith.muli %mul3A_35, %mul3A_36 : i32
      %add3A_38 = arith.addi %mul3A_2, %mul3A_37 : i32
      %add3A_39 = arith.constant 128 : i32
      %add3A_40 = arith.addi %add3A_38, %add3A_39 : i32
      %dma_start3A_41 = arith.constant 1 : i32
      %dma_start3A_42 = tpu.memref_slice %arg2[%dma_start3A_41, %add3A_38] : memref<2x327680xi32, #tpu.memory_space<hbm>> -> memref<1x128xi32, #tpu.memory_space<hbm>>
      %dma_start3A_43 = tpu.memref_squeeze %dma_start3A_42 : memref<1x128xi32, #tpu.memory_space<hbm>> -> memref<128xi32, #tpu.memory_space<hbm>>
      %dma_start3A_44 = tpu.memref_slice %arg2[%dma_start3A_41, %add3A_38] : memref<2x327680xi32, #tpu.memory_space<hbm>> -> memref<1x128xi32, #tpu.memory_space<hbm>>
      %dma_start3A_45 = tpu.memref_squeeze %dma_start3A_44 : memref<1x128xi32, #tpu.memory_space<hbm>> -> memref<128xi32, #tpu.memory_space<hbm>>
      tpu.enqueue_dma source(%dma_start3A_45 : memref<128xi32, #tpu.memory_space<hbm>>) target(%arg6 : memref<128xi32, #tpu.memory_space<vmem>>) target_semaphore(%arg10 : memref<!tpu.dma_semaphore, #tpu.memory_space<semaphore_mem>>)
      %dma_wait3A_46 = arith.constant 0 : i32
      %dma_wait3A_47 = arith.constant 0 : i32
      %dma_wait3A_48 = tpu.memref_slice %arg9[%dma_wait3A_46, %dma_wait3A_47] : memref<10112x128xf32, #tpu.memory_space<vmem_shared>> -> memref<10112x128xf32, #tpu.memory_space<vmem_shared>>
      tpu.wait_indirect_dma semaphore(%arg12 : memref<!tpu.dma_semaphore, #tpu.memory_space<semaphore_mem>>) src(%arg8 : memref<128x128xf32, #tpu.memory_space<vmem>>) dst(%dma_wait3A_48 : memref<10112x128xf32, #tpu.memory_space<vmem_shared>>)
      %dma_start3A_49 = arith.constant 1 : i32
      %dma_start3A_50 = tpu.memref_slice %arg2[%dma_start3A_49, %add3A_40] : memref<2x327680xi32, #tpu.memory_space<hbm>> -> memref<1x128xi32, #tpu.memory_space<hbm>>
      %dma_start3A_51 = tpu.memref_squeeze %dma_start3A_50 : memref<1x128xi32, #tpu.memory_space<hbm>> -> memref<128xi32, #tpu.memory_space<hbm>>
      %dma_start3A_52 = tpu.memref_slice %arg2[%dma_start3A_49, %add3A_40] : memref<2x327680xi32, #tpu.memory_space<hbm>> -> memref<1x128xi32, #tpu.memory_space<hbm>>
      %dma_start3A_53 = tpu.memref_squeeze %dma_start3A_52 : memref<1x128xi32, #tpu.memory_space<hbm>> -> memref<128xi32, #tpu.memory_space<hbm>>
      tpu.enqueue_dma source(%dma_start3A_53 : memref<128xi32, #tpu.memory_space<hbm>>) target(%arg7 : memref<128xi32, #tpu.memory_space<vmem>>) target_semaphore(%arg11 : memref<!tpu.dma_semaphore, #tpu.memory_space<semaphore_mem>>)
      %dma_wait3A_54 = arith.constant 1 : i32
      %dma_wait3A_55 = tpu.memref_slice %arg2[%dma_wait3A_54, %add3A_38] : memref<2x327680xi32, #tpu.memory_space<hbm>> -> memref<1x128xi32, #tpu.memory_space<hbm>>
      %dma_wait3A_56 = tpu.memref_squeeze %dma_wait3A_55 : memref<1x128xi32, #tpu.memory_space<hbm>> -> memref<128xi32, #tpu.memory_space<hbm>>
      %dma_wait3A_57 = tpu.memref_slice %arg2[%dma_wait3A_54, %add3A_38] : memref<2x327680xi32, #tpu.memory_space<hbm>> -> memref<1x128xi32, #tpu.memory_space<hbm>>
      %dma_wait3A_58 = tpu.memref_squeeze %dma_wait3A_57 : memref<1x128xi32, #tpu.memory_space<hbm>> -> memref<128xi32, #tpu.memory_space<hbm>>
      tpu.wait_dma2 semaphore(%arg10 : memref<!tpu.dma_semaphore, #tpu.memory_space<semaphore_mem>>) src(%dma_wait3A_58 : memref<128xi32, #tpu.memory_space<hbm>>) dst(%arg6 : memref<128xi32, #tpu.memory_space<vmem>>)
      %dma_start3A_59 = arith.constant 0 : i32
      %dma_start3A_60 = arith.constant 0 : i32
      %dma_start3A_61 = tpu.memref_slice %arg9[%dma_start3A_59, %dma_start3A_60] : memref<10112x128xf32, #tpu.memory_space<vmem_shared>> -> memref<10112x128xf32, #tpu.memory_space<vmem_shared>>
      tpu.enqueue_indirect_dma source(%arg8 : memref<128x128xf32, #tpu.memory_space<vmem>>) target(%dma_start3A_61 : memref<10112x128xf32, #tpu.memory_space<vmem_shared>>) offsets(%arg6 : memref<128xi32, #tpu.memory_space<vmem>>) semaphore(%arg12 : memref<!tpu.dma_semaphore, #tpu.memory_space<semaphore_mem>>) {add = true}
      %dma_wait3A_62 = arith.constant 1 : i32
      %dma_wait3A_63 = tpu.memref_slice %arg2[%dma_wait3A_62, %add3A_40] : memref<2x327680xi32, #tpu.memory_space<hbm>> -> memref<1x128xi32, #tpu.memory_space<hbm>>
      %dma_wait3A_64 = tpu.memref_squeeze %dma_wait3A_63 : memref<1x128xi32, #tpu.memory_space<hbm>> -> memref<128xi32, #tpu.memory_space<hbm>>
      %dma_wait3A_65 = tpu.memref_slice %arg2[%dma_wait3A_62, %add3A_40] : memref<2x327680xi32, #tpu.memory_space<hbm>> -> memref<1x128xi32, #tpu.memory_space<hbm>>
      %dma_wait3A_66 = tpu.memref_squeeze %dma_wait3A_65 : memref<1x128xi32, #tpu.memory_space<hbm>> -> memref<128xi32, #tpu.memory_space<hbm>>
      tpu.wait_dma2 semaphore(%arg11 : memref<!tpu.dma_semaphore, #tpu.memory_space<semaphore_mem>>) src(%dma_wait3A_66 : memref<128xi32, #tpu.memory_space<hbm>>) dst(%arg7 : memref<128xi32, #tpu.memory_space<vmem>>)
      %dma_wait3A_67 = arith.constant 0 : i32
      %dma_wait3A_68 = arith.constant 0 : i32
      %dma_wait3A_69 = tpu.memref_slice %arg9[%dma_wait3A_67, %dma_wait3A_68] : memref<10112x128xf32, #tpu.memory_space<vmem_shared>> -> memref<10112x128xf32, #tpu.memory_space<vmem_shared>>
      tpu.wait_indirect_dma semaphore(%arg12 : memref<!tpu.dma_semaphore, #tpu.memory_space<semaphore_mem>>) src(%arg8 : memref<128x128xf32, #tpu.memory_space<vmem>>) dst(%dma_wait3A_69 : memref<10112x128xf32, #tpu.memory_space<vmem_shared>>)
      %dma_start3A_70 = arith.constant 0 : i32
      %dma_start3A_71 = arith.constant 0 : i32
      %dma_start3A_72 = tpu.memref_slice %arg9[%dma_start3A_70, %dma_start3A_71] : memref<10112x128xf32, #tpu.memory_space<vmem_shared>> -> memref<10112x128xf32, #tpu.memory_space<vmem_shared>>
      tpu.enqueue_indirect_dma source(%arg8 : memref<128x128xf32, #tpu.memory_space<vmem>>) target(%dma_start3A_72 : memref<10112x128xf32, #tpu.memory_space<vmem_shared>>) offsets(%arg7 : memref<128xi32, #tpu.memory_space<vmem>>) semaphore(%arg12 : memref<!tpu.dma_semaphore, #tpu.memory_space<semaphore_mem>>) {add = true}
    }
    %scan3A_24 = arith.constant 40 : i32
    %dma_wait3A_25 = arith.constant 0 : i32
    %dma_wait3A_26 = arith.constant 0 : i32
    %dma_wait3A_27 = tpu.memref_slice %arg9[%dma_wait3A_25, %dma_wait3A_26] : memref<10112x128xf32, #tpu.memory_space<vmem_shared>> -> memref<10112x128xf32, #tpu.memory_space<vmem_shared>>
    tpu.wait_indirect_dma semaphore(%arg12 : memref<!tpu.dma_semaphore, #tpu.memory_space<semaphore_mem>>) src(%arg8 : memref<128x128xf32, #tpu.memory_space<vmem>>) dst(%dma_wait3A_27 : memref<10112x128xf32, #tpu.memory_space<vmem_shared>>)
    %barrier3A_28 = arith.constant 0 : index
    tpu.barrier barrier_id(%barrier3A_28)
    %mul3A_29 = arith.constant 632 : i32
    %mul3A_30 = arith.muli %arg1, %mul3A_29 : i32
    %mul3A_31 = arith.constant 632 : i32
    %mul3A_32 = arith.muli %arg1, %mul3A_31 : i32
    "tpu.region"() ({
      %run_scoped3A = tpu.sem_alloc : memref<!tpu.dma_semaphore, #tpu.memory_space<semaphore_mem>>
      %dma_start3A_33 = arith.constant 0 : i32
      %dma_start3A_34 = tpu.memref_slice %arg5[%arg0, %mul3A_32, %dma_start3A_33] : memref<2x10112x128xf32, #tpu.memory_space<hbm>> -> memref<1x632x128xf32, #tpu.memory_space<hbm>>
      %dma_start3A_35 = tpu.memref_squeeze %dma_start3A_34 : memref<1x632x128xf32, #tpu.memory_space<hbm>> -> memref<632x128xf32, #tpu.memory_space<hbm>>
      %dma_start3A_36 = arith.constant 0 : i32
      %dma_start3A_37 = tpu.memref_slice %arg9[%mul3A_30, %dma_start3A_36] : memref<10112x128xf32, #tpu.memory_space<vmem_shared>> -> memref<632x128xf32, #tpu.memory_space<vmem_shared>>
      tpu.enqueue_dma source(%dma_start3A_37 : memref<632x128xf32, #tpu.memory_space<vmem_shared>>) target(%dma_start3A_35 : memref<632x128xf32, #tpu.memory_space<hbm>>) target_semaphore(%run_scoped3A : memref<!tpu.dma_semaphore, #tpu.memory_space<semaphore_mem>>)
      %dma_wait3A_38 = arith.constant 0 : i32
      %dma_wait3A_39 = tpu.memref_slice %arg5[%arg0, %mul3A_32, %dma_wait3A_38] : memref<2x10112x128xf32, #tpu.memory_space<hbm>> -> memref<1x632x128xf32, #tpu.memory_space<hbm>>
      %dma_wait3A_40 = tpu.memref_squeeze %dma_wait3A_39 : memref<1x632x128xf32, #tpu.memory_space<hbm>> -> memref<632x128xf32, #tpu.memory_space<hbm>>
      %dma_wait3A_41 = arith.constant 0 : i32
      %dma_wait3A_42 = tpu.memref_slice %arg9[%mul3A_30, %dma_wait3A_41] : memref<10112x128xf32, #tpu.memory_space<vmem_shared>> -> memref<632x128xf32, #tpu.memory_space<vmem_shared>>
      tpu.wait_dma2 semaphore(%run_scoped3A : memref<!tpu.dma_semaphore, #tpu.memory_space<semaphore_mem>>) src(%dma_wait3A_42 : memref<632x128xf32, #tpu.memory_space<vmem_shared>>) dst(%dma_wait3A_40 : memref<632x128xf32, #tpu.memory_space<hbm>>)
      tpu.yield
    }) : () -> ()
    return
  }
}

#map = affine_map<(d0, d1) -> (0, 0)>
#map1 = affine_map<(d0, d1) -> (0, 0, 0)>
module attributes {stable_mosaic.version = 14 : i64} {
  func.func @_prop_body(%arg0: i32, %arg1: i32, %arg2: memref<10000x128xf32, #tpu.memory_space<hbm>>, %arg3: memref<2x327680xi32, #tpu.memory_space<hbm>>, %arg4: memref<632x128xf32, #tpu.memory_space<hbm>>, %arg5: memref<2x10112x128xf32, #tpu.memory_space<hbm>>, %arg6: memref<128xi32, #tpu.memory_space<vmem>>, %arg7: memref<128xi32, #tpu.memory_space<vmem>>, %arg8: memref<128xi32, #tpu.memory_space<vmem>>, %arg9: memref<128xi32, #tpu.memory_space<vmem>>, %arg10: memref<128x128xf32, #tpu.memory_space<vmem>>, %arg11: memref<128x128xf32, #tpu.memory_space<vmem>>, %arg12: memref<10112x128xf32, #tpu.memory_space<vmem_shared>>, %arg13: memref<!tpu.dma_semaphore, #tpu.memory_space<semaphore_mem>>, %arg14: memref<!tpu.dma_semaphore, #tpu.memory_space<semaphore_mem>>, %arg15: memref<!tpu.dma_semaphore, #tpu.memory_space<semaphore_mem>>, %arg16: memref<!tpu.dma_semaphore, #tpu.memory_space<semaphore_mem>>, %arg17: memref<!tpu.dma_semaphore, #tpu.memory_space<semaphore_mem>>) attributes {dimension_semantics = [#tpu.dimension_semantics<core_parallel>, #tpu.dimension_semantics<subcore_parallel>], iteration_bounds = array<i64: 2, 16>, scalar_prefetch = 0 : i64, scratch_operands = 12 : i64, tpu.core_type = #tpu.core_type<sc_vector_subcore>, window_params = [{transform_indices = #map}, {transform_indices = #map}, {transform_indices = #map}, {transform_indices = #map1}]} {
    %mul3A = arith.constant 2 : i32
    %mul3A_0 = arith.muli %arg1, %mul3A : i32
    %add3A = arith.addi %mul3A_0, %arg0 : i32
    %mul3A_1 = arith.constant 10240 : i32
    %mul3A_2 = arith.muli %add3A, %mul3A_1 : i32
    %mul3A_3 = arith.constant 632 : i32
    %mul3A_4 = arith.muli %arg1, %mul3A_3 : i32
    "tpu.region"() ({
      %run_scoped3A = tpu.sem_alloc : memref<!tpu.dma_semaphore, #tpu.memory_space<semaphore_mem>>
      %dma_start3A_33 = arith.constant 0 : i32
      %dma_start3A_34 = tpu.memref_slice %arg12[%mul3A_4, %dma_start3A_33] : memref<10112x128xf32, #tpu.memory_space<vmem_shared>> -> memref<632x128xf32, #tpu.memory_space<vmem_shared>>
      tpu.enqueue_dma source(%arg4 : memref<632x128xf32, #tpu.memory_space<hbm>>) target(%dma_start3A_34 : memref<632x128xf32, #tpu.memory_space<vmem_shared>>) target_semaphore(%run_scoped3A : memref<!tpu.dma_semaphore, #tpu.memory_space<semaphore_mem>>)
      %dma_wait3A_35 = arith.constant 0 : i32
      %dma_wait3A_36 = tpu.memref_slice %arg12[%mul3A_4, %dma_wait3A_35] : memref<10112x128xf32, #tpu.memory_space<vmem_shared>> -> memref<632x128xf32, #tpu.memory_space<vmem_shared>>
      tpu.wait_dma2 semaphore(%run_scoped3A : memref<!tpu.dma_semaphore, #tpu.memory_space<semaphore_mem>>) src(%arg4 : memref<632x128xf32, #tpu.memory_space<hbm>>) dst(%dma_wait3A_36 : memref<632x128xf32, #tpu.memory_space<vmem_shared>>)
      tpu.yield
    }) : () -> ()
    %barrier3A = arith.constant 0 : index
    tpu.barrier barrier_id(%barrier3A)
    %dma_start3A = arith.constant 1 : i32
    %dma_start3A_5 = arith.constant 327552 : i32
    %dma_start3A_6 = tpu.memref_slice %arg3[%dma_start3A, %dma_start3A_5] : memref<2x327680xi32, #tpu.memory_space<hbm>> -> memref<1x128xi32, #tpu.memory_space<hbm>>
    %dma_start3A_7 = tpu.memref_squeeze %dma_start3A_6 : memref<1x128xi32, #tpu.memory_space<hbm>> -> memref<128xi32, #tpu.memory_space<hbm>>
    %dma_start3A_8 = arith.constant 327552 : i32
    %dma_start3A_9 = tpu.memref_slice %arg3[%dma_start3A, %dma_start3A_8] : memref<2x327680xi32, #tpu.memory_space<hbm>> -> memref<1x128xi32, #tpu.memory_space<hbm>>
    %dma_start3A_10 = tpu.memref_squeeze %dma_start3A_9 : memref<1x128xi32, #tpu.memory_space<hbm>> -> memref<128xi32, #tpu.memory_space<hbm>>
    tpu.enqueue_dma source(%dma_start3A_10 : memref<128xi32, #tpu.memory_space<hbm>>) target(%arg9 : memref<128xi32, #tpu.memory_space<vmem>>) target_semaphore(%arg14 : memref<!tpu.dma_semaphore, #tpu.memory_space<semaphore_mem>>)
    %dma_wait3A = arith.constant 1 : i32
    %dma_wait3A_11 = arith.constant 327552 : i32
    %dma_wait3A_12 = tpu.memref_slice %arg3[%dma_wait3A, %dma_wait3A_11] : memref<2x327680xi32, #tpu.memory_space<hbm>> -> memref<1x128xi32, #tpu.memory_space<hbm>>
    %dma_wait3A_13 = tpu.memref_squeeze %dma_wait3A_12 : memref<1x128xi32, #tpu.memory_space<hbm>> -> memref<128xi32, #tpu.memory_space<hbm>>
    %dma_wait3A_14 = arith.constant 327552 : i32
    %dma_wait3A_15 = tpu.memref_slice %arg3[%dma_wait3A, %dma_wait3A_14] : memref<2x327680xi32, #tpu.memory_space<hbm>> -> memref<1x128xi32, #tpu.memory_space<hbm>>
    %dma_wait3A_16 = tpu.memref_squeeze %dma_wait3A_15 : memref<1x128xi32, #tpu.memory_space<hbm>> -> memref<128xi32, #tpu.memory_space<hbm>>
    tpu.wait_dma2 semaphore(%arg14 : memref<!tpu.dma_semaphore, #tpu.memory_space<semaphore_mem>>) src(%dma_wait3A_16 : memref<128xi32, #tpu.memory_space<hbm>>) dst(%arg9 : memref<128xi32, #tpu.memory_space<vmem>>)
    %dma_start3A_17 = arith.constant 0 : i32
    %dma_start3A_18 = arith.constant 0 : i32
    %dma_start3A_19 = tpu.memref_slice %arg12[%dma_start3A_17, %dma_start3A_18] : memref<10112x128xf32, #tpu.memory_space<vmem_shared>> -> memref<10112x128xf32, #tpu.memory_space<vmem_shared>>
    tpu.enqueue_indirect_dma source(%arg11 : memref<128x128xf32, #tpu.memory_space<vmem>>) target(%dma_start3A_19 : memref<10112x128xf32, #tpu.memory_space<vmem_shared>>) offsets(%arg9 : memref<128xi32, #tpu.memory_space<vmem>>) semaphore(%arg17 : memref<!tpu.dma_semaphore, #tpu.memory_space<semaphore_mem>>) {add = true}
    %scan3A = arith.constant 0 : i32
    %scan3A_20 = arith.constant 0 : i32
    %scan3A_21 = arith.constant 40 : i32
    %scan3A_22 = arith.addi %scan3A_20, %scan3A_21 : i32
    %scan3A_23 = arith.constant 1 : i32
    scf.for %scan3A_33 = %scan3A_20 to %scan3A_22 step %scan3A_23  : i32 {
      %mul3A_34 = arith.constant 2 : i32
      %mul3A_35 = arith.muli %scan3A_33, %mul3A_34 : i32
      %mul3A_36 = arith.constant 128 : i32
      %mul3A_37 = arith.muli %mul3A_35, %mul3A_36 : i32
      %add3A_38 = arith.addi %mul3A_2, %mul3A_37 : i32
      %add3A_39 = arith.constant 128 : i32
      %add3A_40 = arith.addi %add3A_38, %add3A_39 : i32
      %dma_start3A_41 = arith.constant 0 : i32
      %dma_start3A_42 = tpu.memref_slice %arg3[%dma_start3A_41, %add3A_38] : memref<2x327680xi32, #tpu.memory_space<hbm>> -> memref<1x128xi32, #tpu.memory_space<hbm>>
      %dma_start3A_43 = tpu.memref_squeeze %dma_start3A_42 : memref<1x128xi32, #tpu.memory_space<hbm>> -> memref<128xi32, #tpu.memory_space<hbm>>
      %dma_start3A_44 = tpu.memref_slice %arg3[%dma_start3A_41, %add3A_38] : memref<2x327680xi32, #tpu.memory_space<hbm>> -> memref<1x128xi32, #tpu.memory_space<hbm>>
      %dma_start3A_45 = tpu.memref_squeeze %dma_start3A_44 : memref<1x128xi32, #tpu.memory_space<hbm>> -> memref<128xi32, #tpu.memory_space<hbm>>
      tpu.enqueue_dma source(%dma_start3A_45 : memref<128xi32, #tpu.memory_space<hbm>>) target(%arg6 : memref<128xi32, #tpu.memory_space<vmem>>) target_semaphore(%arg13 : memref<!tpu.dma_semaphore, #tpu.memory_space<semaphore_mem>>)
      %dma_start3A_46 = arith.constant 1 : i32
      %dma_start3A_47 = tpu.memref_slice %arg3[%dma_start3A_46, %add3A_38] : memref<2x327680xi32, #tpu.memory_space<hbm>> -> memref<1x128xi32, #tpu.memory_space<hbm>>
      %dma_start3A_48 = tpu.memref_squeeze %dma_start3A_47 : memref<1x128xi32, #tpu.memory_space<hbm>> -> memref<128xi32, #tpu.memory_space<hbm>>
      %dma_start3A_49 = tpu.memref_slice %arg3[%dma_start3A_46, %add3A_38] : memref<2x327680xi32, #tpu.memory_space<hbm>> -> memref<1x128xi32, #tpu.memory_space<hbm>>
      %dma_start3A_50 = tpu.memref_squeeze %dma_start3A_49 : memref<1x128xi32, #tpu.memory_space<hbm>> -> memref<128xi32, #tpu.memory_space<hbm>>
      tpu.enqueue_dma source(%dma_start3A_50 : memref<128xi32, #tpu.memory_space<hbm>>) target(%arg8 : memref<128xi32, #tpu.memory_space<vmem>>) target_semaphore(%arg13 : memref<!tpu.dma_semaphore, #tpu.memory_space<semaphore_mem>>)
      %dma_wait3A_51 = arith.constant 0 : i32
      %dma_wait3A_52 = arith.constant 0 : i32
      %dma_wait3A_53 = tpu.memref_slice %arg12[%dma_wait3A_51, %dma_wait3A_52] : memref<10112x128xf32, #tpu.memory_space<vmem_shared>> -> memref<10112x128xf32, #tpu.memory_space<vmem_shared>>
      tpu.wait_indirect_dma semaphore(%arg17 : memref<!tpu.dma_semaphore, #tpu.memory_space<semaphore_mem>>) src(%arg11 : memref<128x128xf32, #tpu.memory_space<vmem>>) dst(%dma_wait3A_53 : memref<10112x128xf32, #tpu.memory_space<vmem_shared>>)
      %dma_start3A_54 = arith.constant 0 : i32
      %dma_start3A_55 = tpu.memref_slice %arg3[%dma_start3A_54, %add3A_40] : memref<2x327680xi32, #tpu.memory_space<hbm>> -> memref<1x128xi32, #tpu.memory_space<hbm>>
      %dma_start3A_56 = tpu.memref_squeeze %dma_start3A_55 : memref<1x128xi32, #tpu.memory_space<hbm>> -> memref<128xi32, #tpu.memory_space<hbm>>
      %dma_start3A_57 = tpu.memref_slice %arg3[%dma_start3A_54, %add3A_40] : memref<2x327680xi32, #tpu.memory_space<hbm>> -> memref<1x128xi32, #tpu.memory_space<hbm>>
      %dma_start3A_58 = tpu.memref_squeeze %dma_start3A_57 : memref<1x128xi32, #tpu.memory_space<hbm>> -> memref<128xi32, #tpu.memory_space<hbm>>
      tpu.enqueue_dma source(%dma_start3A_58 : memref<128xi32, #tpu.memory_space<hbm>>) target(%arg7 : memref<128xi32, #tpu.memory_space<vmem>>) target_semaphore(%arg14 : memref<!tpu.dma_semaphore, #tpu.memory_space<semaphore_mem>>)
      %dma_start3A_59 = arith.constant 1 : i32
      %dma_start3A_60 = tpu.memref_slice %arg3[%dma_start3A_59, %add3A_40] : memref<2x327680xi32, #tpu.memory_space<hbm>> -> memref<1x128xi32, #tpu.memory_space<hbm>>
      %dma_start3A_61 = tpu.memref_squeeze %dma_start3A_60 : memref<1x128xi32, #tpu.memory_space<hbm>> -> memref<128xi32, #tpu.memory_space<hbm>>
      %dma_start3A_62 = tpu.memref_slice %arg3[%dma_start3A_59, %add3A_40] : memref<2x327680xi32, #tpu.memory_space<hbm>> -> memref<1x128xi32, #tpu.memory_space<hbm>>
      %dma_start3A_63 = tpu.memref_squeeze %dma_start3A_62 : memref<1x128xi32, #tpu.memory_space<hbm>> -> memref<128xi32, #tpu.memory_space<hbm>>
      tpu.enqueue_dma source(%dma_start3A_63 : memref<128xi32, #tpu.memory_space<hbm>>) target(%arg9 : memref<128xi32, #tpu.memory_space<vmem>>) target_semaphore(%arg14 : memref<!tpu.dma_semaphore, #tpu.memory_space<semaphore_mem>>)
      %dma_wait3A_64 = arith.constant 0 : i32
      %dma_wait3A_65 = tpu.memref_slice %arg3[%dma_wait3A_64, %add3A_38] : memref<2x327680xi32, #tpu.memory_space<hbm>> -> memref<1x128xi32, #tpu.memory_space<hbm>>
      %dma_wait3A_66 = tpu.memref_squeeze %dma_wait3A_65 : memref<1x128xi32, #tpu.memory_space<hbm>> -> memref<128xi32, #tpu.memory_space<hbm>>
      %dma_wait3A_67 = tpu.memref_slice %arg3[%dma_wait3A_64, %add3A_38] : memref<2x327680xi32, #tpu.memory_space<hbm>> -> memref<1x128xi32, #tpu.memory_space<hbm>>
      %dma_wait3A_68 = tpu.memref_squeeze %dma_wait3A_67 : memref<1x128xi32, #tpu.memory_space<hbm>> -> memref<128xi32, #tpu.memory_space<hbm>>
      tpu.wait_dma2 semaphore(%arg13 : memref<!tpu.dma_semaphore, #tpu.memory_space<semaphore_mem>>) src(%dma_wait3A_68 : memref<128xi32, #tpu.memory_space<hbm>>) dst(%arg6 : memref<128xi32, #tpu.memory_space<vmem>>)
      %dma_wait3A_69 = arith.constant 1 : i32
      %dma_wait3A_70 = tpu.memref_slice %arg3[%dma_wait3A_69, %add3A_38] : memref<2x327680xi32, #tpu.memory_space<hbm>> -> memref<1x128xi32, #tpu.memory_space<hbm>>
      %dma_wait3A_71 = tpu.memref_squeeze %dma_wait3A_70 : memref<1x128xi32, #tpu.memory_space<hbm>> -> memref<128xi32, #tpu.memory_space<hbm>>
      %dma_wait3A_72 = tpu.memref_slice %arg3[%dma_wait3A_69, %add3A_38] : memref<2x327680xi32, #tpu.memory_space<hbm>> -> memref<1x128xi32, #tpu.memory_space<hbm>>
      %dma_wait3A_73 = tpu.memref_squeeze %dma_wait3A_72 : memref<1x128xi32, #tpu.memory_space<hbm>> -> memref<128xi32, #tpu.memory_space<hbm>>
      tpu.wait_dma2 semaphore(%arg13 : memref<!tpu.dma_semaphore, #tpu.memory_space<semaphore_mem>>) src(%dma_wait3A_73 : memref<128xi32, #tpu.memory_space<hbm>>) dst(%arg8 : memref<128xi32, #tpu.memory_space<vmem>>)
      %dma_start3A_74 = arith.constant 0 : i32
      %dma_start3A_75 = arith.constant 0 : i32
      %dma_start3A_76 = tpu.memref_slice %arg2[%dma_start3A_74, %dma_start3A_75] : memref<10000x128xf32, #tpu.memory_space<hbm>> -> memref<10000x128xf32, #tpu.memory_space<hbm>>
      tpu.enqueue_indirect_dma source(%dma_start3A_76 : memref<10000x128xf32, #tpu.memory_space<hbm>>) target(%arg10 : memref<128x128xf32, #tpu.memory_space<vmem>>) offsets(%arg6 : memref<128xi32, #tpu.memory_space<vmem>>) semaphore(%arg15 : memref<!tpu.dma_semaphore, #tpu.memory_space<semaphore_mem>>)
      %dma_wait3A_77 = arith.constant 0 : i32
      %dma_wait3A_78 = tpu.memref_slice %arg3[%dma_wait3A_77, %add3A_40] : memref<2x327680xi32, #tpu.memory_space<hbm>> -> memref<1x128xi32, #tpu.memory_space<hbm>>
      %dma_wait3A_79 = tpu.memref_squeeze %dma_wait3A_78 : memref<1x128xi32, #tpu.memory_space<hbm>> -> memref<128xi32, #tpu.memory_space<hbm>>
      %dma_wait3A_80 = tpu.memref_slice %arg3[%dma_wait3A_77, %add3A_40] : memref<2x327680xi32, #tpu.memory_space<hbm>> -> memref<1x128xi32, #tpu.memory_space<hbm>>
      %dma_wait3A_81 = tpu.memref_squeeze %dma_wait3A_80 : memref<1x128xi32, #tpu.memory_space<hbm>> -> memref<128xi32, #tpu.memory_space<hbm>>
      tpu.wait_dma2 semaphore(%arg14 : memref<!tpu.dma_semaphore, #tpu.memory_space<semaphore_mem>>) src(%dma_wait3A_81 : memref<128xi32, #tpu.memory_space<hbm>>) dst(%arg7 : memref<128xi32, #tpu.memory_space<vmem>>)
      %dma_wait3A_82 = arith.constant 1 : i32
      %dma_wait3A_83 = tpu.memref_slice %arg3[%dma_wait3A_82, %add3A_40] : memref<2x327680xi32, #tpu.memory_space<hbm>> -> memref<1x128xi32, #tpu.memory_space<hbm>>
      %dma_wait3A_84 = tpu.memref_squeeze %dma_wait3A_83 : memref<1x128xi32, #tpu.memory_space<hbm>> -> memref<128xi32, #tpu.memory_space<hbm>>
      %dma_wait3A_85 = tpu.memref_slice %arg3[%dma_wait3A_82, %add3A_40] : memref<2x327680xi32, #tpu.memory_space<hbm>> -> memref<1x128xi32, #tpu.memory_space<hbm>>
      %dma_wait3A_86 = tpu.memref_squeeze %dma_wait3A_85 : memref<1x128xi32, #tpu.memory_space<hbm>> -> memref<128xi32, #tpu.memory_space<hbm>>
      tpu.wait_dma2 semaphore(%arg14 : memref<!tpu.dma_semaphore, #tpu.memory_space<semaphore_mem>>) src(%dma_wait3A_86 : memref<128xi32, #tpu.memory_space<hbm>>) dst(%arg9 : memref<128xi32, #tpu.memory_space<vmem>>)
      %dma_start3A_87 = arith.constant 0 : i32
      %dma_start3A_88 = arith.constant 0 : i32
      %dma_start3A_89 = tpu.memref_slice %arg2[%dma_start3A_87, %dma_start3A_88] : memref<10000x128xf32, #tpu.memory_space<hbm>> -> memref<10000x128xf32, #tpu.memory_space<hbm>>
      tpu.enqueue_indirect_dma source(%dma_start3A_89 : memref<10000x128xf32, #tpu.memory_space<hbm>>) target(%arg11 : memref<128x128xf32, #tpu.memory_space<vmem>>) offsets(%arg7 : memref<128xi32, #tpu.memory_space<vmem>>) semaphore(%arg16 : memref<!tpu.dma_semaphore, #tpu.memory_space<semaphore_mem>>)
      %dma_wait3A_90 = arith.constant 0 : i32
      %dma_wait3A_91 = arith.constant 0 : i32
      %dma_wait3A_92 = tpu.memref_slice %arg2[%dma_wait3A_90, %dma_wait3A_91] : memref<10000x128xf32, #tpu.memory_space<hbm>> -> memref<10000x128xf32, #tpu.memory_space<hbm>>
      tpu.wait_indirect_dma semaphore(%arg15 : memref<!tpu.dma_semaphore, #tpu.memory_space<semaphore_mem>>) src(%dma_wait3A_92 : memref<10000x128xf32, #tpu.memory_space<hbm>>) dst(%arg10 : memref<128x128xf32, #tpu.memory_space<vmem>>)
      %dma_start3A_93 = arith.constant 0 : i32
      %dma_start3A_94 = arith.constant 0 : i32
      %dma_start3A_95 = tpu.memref_slice %arg12[%dma_start3A_93, %dma_start3A_94] : memref<10112x128xf32, #tpu.memory_space<vmem_shared>> -> memref<10112x128xf32, #tpu.memory_space<vmem_shared>>
      tpu.enqueue_indirect_dma source(%arg10 : memref<128x128xf32, #tpu.memory_space<vmem>>) target(%dma_start3A_95 : memref<10112x128xf32, #tpu.memory_space<vmem_shared>>) offsets(%arg8 : memref<128xi32, #tpu.memory_space<vmem>>) semaphore(%arg17 : memref<!tpu.dma_semaphore, #tpu.memory_space<semaphore_mem>>) {add = true}
      %dma_wait3A_96 = arith.constant 0 : i32
      %dma_wait3A_97 = arith.constant 0 : i32
      %dma_wait3A_98 = tpu.memref_slice %arg2[%dma_wait3A_96, %dma_wait3A_97] : memref<10000x128xf32, #tpu.memory_space<hbm>> -> memref<10000x128xf32, #tpu.memory_space<hbm>>
      tpu.wait_indirect_dma semaphore(%arg16 : memref<!tpu.dma_semaphore, #tpu.memory_space<semaphore_mem>>) src(%dma_wait3A_98 : memref<10000x128xf32, #tpu.memory_space<hbm>>) dst(%arg11 : memref<128x128xf32, #tpu.memory_space<vmem>>)
      %dma_wait3A_99 = arith.constant 0 : i32
      %dma_wait3A_100 = arith.constant 0 : i32
      %dma_wait3A_101 = tpu.memref_slice %arg12[%dma_wait3A_99, %dma_wait3A_100] : memref<10112x128xf32, #tpu.memory_space<vmem_shared>> -> memref<10112x128xf32, #tpu.memory_space<vmem_shared>>
      tpu.wait_indirect_dma semaphore(%arg17 : memref<!tpu.dma_semaphore, #tpu.memory_space<semaphore_mem>>) src(%arg10 : memref<128x128xf32, #tpu.memory_space<vmem>>) dst(%dma_wait3A_101 : memref<10112x128xf32, #tpu.memory_space<vmem_shared>>)
      %dma_start3A_102 = arith.constant 0 : i32
      %dma_start3A_103 = arith.constant 0 : i32
      %dma_start3A_104 = tpu.memref_slice %arg12[%dma_start3A_102, %dma_start3A_103] : memref<10112x128xf32, #tpu.memory_space<vmem_shared>> -> memref<10112x128xf32, #tpu.memory_space<vmem_shared>>
      tpu.enqueue_indirect_dma source(%arg11 : memref<128x128xf32, #tpu.memory_space<vmem>>) target(%dma_start3A_104 : memref<10112x128xf32, #tpu.memory_space<vmem_shared>>) offsets(%arg9 : memref<128xi32, #tpu.memory_space<vmem>>) semaphore(%arg17 : memref<!tpu.dma_semaphore, #tpu.memory_space<semaphore_mem>>) {add = true}
    }
    %scan3A_24 = arith.constant 40 : i32
    %dma_wait3A_25 = arith.constant 0 : i32
    %dma_wait3A_26 = arith.constant 0 : i32
    %dma_wait3A_27 = tpu.memref_slice %arg12[%dma_wait3A_25, %dma_wait3A_26] : memref<10112x128xf32, #tpu.memory_space<vmem_shared>> -> memref<10112x128xf32, #tpu.memory_space<vmem_shared>>
    tpu.wait_indirect_dma semaphore(%arg17 : memref<!tpu.dma_semaphore, #tpu.memory_space<semaphore_mem>>) src(%arg11 : memref<128x128xf32, #tpu.memory_space<vmem>>) dst(%dma_wait3A_27 : memref<10112x128xf32, #tpu.memory_space<vmem_shared>>)
    %barrier3A_28 = arith.constant 0 : index
    tpu.barrier barrier_id(%barrier3A_28)
    %mul3A_29 = arith.constant 632 : i32
    %mul3A_30 = arith.muli %arg1, %mul3A_29 : i32
    %mul3A_31 = arith.constant 632 : i32
    %mul3A_32 = arith.muli %arg1, %mul3A_31 : i32
    "tpu.region"() ({
      %run_scoped3A = tpu.sem_alloc : memref<!tpu.dma_semaphore, #tpu.memory_space<semaphore_mem>>
      %dma_start3A_33 = arith.constant 0 : i32
      %dma_start3A_34 = tpu.memref_slice %arg5[%arg0, %mul3A_32, %dma_start3A_33] : memref<2x10112x128xf32, #tpu.memory_space<hbm>> -> memref<1x632x128xf32, #tpu.memory_space<hbm>>
      %dma_start3A_35 = tpu.memref_squeeze %dma_start3A_34 : memref<1x632x128xf32, #tpu.memory_space<hbm>> -> memref<632x128xf32, #tpu.memory_space<hbm>>
      %dma_start3A_36 = arith.constant 0 : i32
      %dma_start3A_37 = tpu.memref_slice %arg12[%mul3A_30, %dma_start3A_36] : memref<10112x128xf32, #tpu.memory_space<vmem_shared>> -> memref<632x128xf32, #tpu.memory_space<vmem_shared>>
      tpu.enqueue_dma source(%dma_start3A_37 : memref<632x128xf32, #tpu.memory_space<vmem_shared>>) target(%dma_start3A_35 : memref<632x128xf32, #tpu.memory_space<hbm>>) target_semaphore(%run_scoped3A : memref<!tpu.dma_semaphore, #tpu.memory_space<semaphore_mem>>)
      %dma_wait3A_38 = arith.constant 0 : i32
      %dma_wait3A_39 = tpu.memref_slice %arg5[%arg0, %mul3A_32, %dma_wait3A_38] : memref<2x10112x128xf32, #tpu.memory_space<hbm>> -> memref<1x632x128xf32, #tpu.memory_space<hbm>>
      %dma_wait3A_40 = tpu.memref_squeeze %dma_wait3A_39 : memref<1x632x128xf32, #tpu.memory_space<hbm>> -> memref<632x128xf32, #tpu.memory_space<hbm>>
      %dma_wait3A_41 = arith.constant 0 : i32
      %dma_wait3A_42 = tpu.memref_slice %arg12[%mul3A_30, %dma_wait3A_41] : memref<10112x128xf32, #tpu.memory_space<vmem_shared>> -> memref<632x128xf32, #tpu.memory_space<vmem_shared>>
      tpu.wait_dma2 semaphore(%run_scoped3A : memref<!tpu.dma_semaphore, #tpu.memory_space<semaphore_mem>>) src(%dma_wait3A_42 : memref<632x128xf32, #tpu.memory_space<vmem_shared>>) dst(%dma_wait3A_40 : memref<632x128xf32, #tpu.memory_space<hbm>>)
      tpu.yield
    }) : () -> ()
    return
  }
}

#map = affine_map<(d0, d1) -> (0, 0)>
#map1 = affine_map<(d0, d1) -> (0, 0, 0)>
module attributes {stable_mosaic.version = 14 : i64} {
  func.func @_prop_body(%arg0: i32, %arg1: i32, %arg2: memref<10000x128xf32, #tpu.memory_space<hbm>>, %arg3: memref<2x327680xi32, #tpu.memory_space<hbm>>, %arg4: memref<632x128xf32, #tpu.memory_space<hbm>>, %arg5: memref<2x10112x128xf32, #tpu.memory_space<hbm>>, %arg6: memref<128xi32, #tpu.memory_space<vmem>>, %arg7: memref<128xi32, #tpu.memory_space<vmem>>, %arg8: memref<128xi32, #tpu.memory_space<vmem>>, %arg9: memref<128xi32, #tpu.memory_space<vmem>>, %arg10: memref<128x128xf32, #tpu.memory_space<vmem>>, %arg11: memref<128x128xf32, #tpu.memory_space<vmem>>, %arg12: memref<10112x128xf32, #tpu.memory_space<vmem_shared>>, %arg13: memref<!tpu.dma_semaphore, #tpu.memory_space<semaphore_mem>>, %arg14: memref<!tpu.dma_semaphore, #tpu.memory_space<semaphore_mem>>, %arg15: memref<!tpu.dma_semaphore, #tpu.memory_space<semaphore_mem>>, %arg16: memref<!tpu.dma_semaphore, #tpu.memory_space<semaphore_mem>>, %arg17: memref<!tpu.dma_semaphore, #tpu.memory_space<semaphore_mem>>) attributes {dimension_semantics = [#tpu.dimension_semantics<core_parallel>, #tpu.dimension_semantics<subcore_parallel>], iteration_bounds = array<i64: 2, 16>, scalar_prefetch = 0 : i64, scratch_operands = 12 : i64, tpu.core_type = #tpu.core_type<sc_vector_subcore>, window_params = [{transform_indices = #map}, {transform_indices = #map}, {transform_indices = #map}, {transform_indices = #map1}]} {
    %mul3A = arith.constant 2 : i32
    %mul3A_0 = arith.muli %arg1, %mul3A : i32
    %add3A = arith.addi %mul3A_0, %arg0 : i32
    %mul3A_1 = arith.constant 10240 : i32
    %mul3A_2 = arith.muli %add3A, %mul3A_1 : i32
    %mul3A_3 = arith.constant 632 : i32
    %mul3A_4 = arith.muli %arg1, %mul3A_3 : i32
    "tpu.region"() ({
      %run_scoped3A = tpu.sem_alloc : memref<!tpu.dma_semaphore, #tpu.memory_space<semaphore_mem>>
      %dma_start3A_33 = arith.constant 0 : i32
      %dma_start3A_34 = tpu.memref_slice %arg12[%mul3A_4, %dma_start3A_33] : memref<10112x128xf32, #tpu.memory_space<vmem_shared>> -> memref<632x128xf32, #tpu.memory_space<vmem_shared>>
      tpu.enqueue_dma source(%arg4 : memref<632x128xf32, #tpu.memory_space<hbm>>) target(%dma_start3A_34 : memref<632x128xf32, #tpu.memory_space<vmem_shared>>) target_semaphore(%run_scoped3A : memref<!tpu.dma_semaphore, #tpu.memory_space<semaphore_mem>>)
      %dma_wait3A_35 = arith.constant 0 : i32
      %dma_wait3A_36 = tpu.memref_slice %arg12[%mul3A_4, %dma_wait3A_35] : memref<10112x128xf32, #tpu.memory_space<vmem_shared>> -> memref<632x128xf32, #tpu.memory_space<vmem_shared>>
      tpu.wait_dma2 semaphore(%run_scoped3A : memref<!tpu.dma_semaphore, #tpu.memory_space<semaphore_mem>>) src(%arg4 : memref<632x128xf32, #tpu.memory_space<hbm>>) dst(%dma_wait3A_36 : memref<632x128xf32, #tpu.memory_space<vmem_shared>>)
      tpu.yield
    }) : () -> ()
    %barrier3A = arith.constant 0 : index
    tpu.barrier barrier_id(%barrier3A)
    %dma_start3A = arith.constant 1 : i32
    %dma_start3A_5 = arith.constant 327552 : i32
    %dma_start3A_6 = tpu.memref_slice %arg3[%dma_start3A, %dma_start3A_5] : memref<2x327680xi32, #tpu.memory_space<hbm>> -> memref<1x128xi32, #tpu.memory_space<hbm>>
    %dma_start3A_7 = tpu.memref_squeeze %dma_start3A_6 : memref<1x128xi32, #tpu.memory_space<hbm>> -> memref<128xi32, #tpu.memory_space<hbm>>
    %dma_start3A_8 = arith.constant 327552 : i32
    %dma_start3A_9 = tpu.memref_slice %arg3[%dma_start3A, %dma_start3A_8] : memref<2x327680xi32, #tpu.memory_space<hbm>> -> memref<1x128xi32, #tpu.memory_space<hbm>>
    %dma_start3A_10 = tpu.memref_squeeze %dma_start3A_9 : memref<1x128xi32, #tpu.memory_space<hbm>> -> memref<128xi32, #tpu.memory_space<hbm>>
    tpu.enqueue_dma source(%dma_start3A_10 : memref<128xi32, #tpu.memory_space<hbm>>) target(%arg9 : memref<128xi32, #tpu.memory_space<vmem>>) target_semaphore(%arg14 : memref<!tpu.dma_semaphore, #tpu.memory_space<semaphore_mem>>)
    %dma_wait3A = arith.constant 1 : i32
    %dma_wait3A_11 = arith.constant 327552 : i32
    %dma_wait3A_12 = tpu.memref_slice %arg3[%dma_wait3A, %dma_wait3A_11] : memref<2x327680xi32, #tpu.memory_space<hbm>> -> memref<1x128xi32, #tpu.memory_space<hbm>>
    %dma_wait3A_13 = tpu.memref_squeeze %dma_wait3A_12 : memref<1x128xi32, #tpu.memory_space<hbm>> -> memref<128xi32, #tpu.memory_space<hbm>>
    %dma_wait3A_14 = arith.constant 327552 : i32
    %dma_wait3A_15 = tpu.memref_slice %arg3[%dma_wait3A, %dma_wait3A_14] : memref<2x327680xi32, #tpu.memory_space<hbm>> -> memref<1x128xi32, #tpu.memory_space<hbm>>
    %dma_wait3A_16 = tpu.memref_squeeze %dma_wait3A_15 : memref<1x128xi32, #tpu.memory_space<hbm>> -> memref<128xi32, #tpu.memory_space<hbm>>
    tpu.wait_dma2 semaphore(%arg14 : memref<!tpu.dma_semaphore, #tpu.memory_space<semaphore_mem>>) src(%dma_wait3A_16 : memref<128xi32, #tpu.memory_space<hbm>>) dst(%arg9 : memref<128xi32, #tpu.memory_space<vmem>>)
    %dma_start3A_17 = arith.constant 0 : i32
    %dma_start3A_18 = arith.constant 0 : i32
    %dma_start3A_19 = tpu.memref_slice %arg12[%dma_start3A_17, %dma_start3A_18] : memref<10112x128xf32, #tpu.memory_space<vmem_shared>> -> memref<10112x128xf32, #tpu.memory_space<vmem_shared>>
    tpu.enqueue_indirect_dma source(%arg11 : memref<128x128xf32, #tpu.memory_space<vmem>>) target(%dma_start3A_19 : memref<10112x128xf32, #tpu.memory_space<vmem_shared>>) offsets(%arg9 : memref<128xi32, #tpu.memory_space<vmem>>) semaphore(%arg17 : memref<!tpu.dma_semaphore, #tpu.memory_space<semaphore_mem>>) {add = true}
    %scan3A = arith.constant 0 : i32
    %scan3A_20 = arith.constant 0 : i32
    %scan3A_21 = arith.constant 40 : i32
    %scan3A_22 = arith.addi %scan3A_20, %scan3A_21 : i32
    %scan3A_23 = arith.constant 1 : i32
    scf.for %scan3A_33 = %scan3A_20 to %scan3A_22 step %scan3A_23  : i32 {
      %mul3A_34 = arith.constant 2 : i32
      %mul3A_35 = arith.muli %scan3A_33, %mul3A_34 : i32
      %mul3A_36 = arith.constant 128 : i32
      %mul3A_37 = arith.muli %mul3A_35, %mul3A_36 : i32
      %add3A_38 = arith.addi %mul3A_2, %mul3A_37 : i32
      %add3A_39 = arith.constant 128 : i32
      %add3A_40 = arith.addi %add3A_38, %add3A_39 : i32
      %dma_start3A_41 = arith.constant 0 : i32
      %dma_start3A_42 = tpu.memref_slice %arg3[%dma_start3A_41, %add3A_38] : memref<2x327680xi32, #tpu.memory_space<hbm>> -> memref<1x128xi32, #tpu.memory_space<hbm>>
      %dma_start3A_43 = tpu.memref_squeeze %dma_start3A_42 : memref<1x128xi32, #tpu.memory_space<hbm>> -> memref<128xi32, #tpu.memory_space<hbm>>
      %dma_start3A_44 = tpu.memref_slice %arg3[%dma_start3A_41, %add3A_38] : memref<2x327680xi32, #tpu.memory_space<hbm>> -> memref<1x128xi32, #tpu.memory_space<hbm>>
      %dma_start3A_45 = tpu.memref_squeeze %dma_start3A_44 : memref<1x128xi32, #tpu.memory_space<hbm>> -> memref<128xi32, #tpu.memory_space<hbm>>
      tpu.enqueue_dma source(%dma_start3A_45 : memref<128xi32, #tpu.memory_space<hbm>>) target(%arg6 : memref<128xi32, #tpu.memory_space<vmem>>) target_semaphore(%arg13 : memref<!tpu.dma_semaphore, #tpu.memory_space<semaphore_mem>>)
      %dma_start3A_46 = arith.constant 1 : i32
      %dma_start3A_47 = tpu.memref_slice %arg3[%dma_start3A_46, %add3A_38] : memref<2x327680xi32, #tpu.memory_space<hbm>> -> memref<1x128xi32, #tpu.memory_space<hbm>>
      %dma_start3A_48 = tpu.memref_squeeze %dma_start3A_47 : memref<1x128xi32, #tpu.memory_space<hbm>> -> memref<128xi32, #tpu.memory_space<hbm>>
      %dma_start3A_49 = tpu.memref_slice %arg3[%dma_start3A_46, %add3A_38] : memref<2x327680xi32, #tpu.memory_space<hbm>> -> memref<1x128xi32, #tpu.memory_space<hbm>>
      %dma_start3A_50 = tpu.memref_squeeze %dma_start3A_49 : memref<1x128xi32, #tpu.memory_space<hbm>> -> memref<128xi32, #tpu.memory_space<hbm>>
      tpu.enqueue_dma source(%dma_start3A_50 : memref<128xi32, #tpu.memory_space<hbm>>) target(%arg8 : memref<128xi32, #tpu.memory_space<vmem>>) target_semaphore(%arg13 : memref<!tpu.dma_semaphore, #tpu.memory_space<semaphore_mem>>)
      %dma_wait3A_51 = arith.constant 0 : i32
      %dma_wait3A_52 = arith.constant 0 : i32
      %dma_wait3A_53 = tpu.memref_slice %arg12[%dma_wait3A_51, %dma_wait3A_52] : memref<10112x128xf32, #tpu.memory_space<vmem_shared>> -> memref<10112x128xf32, #tpu.memory_space<vmem_shared>>
      tpu.wait_indirect_dma semaphore(%arg17 : memref<!tpu.dma_semaphore, #tpu.memory_space<semaphore_mem>>) src(%arg11 : memref<128x128xf32, #tpu.memory_space<vmem>>) dst(%dma_wait3A_53 : memref<10112x128xf32, #tpu.memory_space<vmem_shared>>)
      %dma_start3A_54 = arith.constant 0 : i32
      %dma_start3A_55 = tpu.memref_slice %arg3[%dma_start3A_54, %add3A_40] : memref<2x327680xi32, #tpu.memory_space<hbm>> -> memref<1x128xi32, #tpu.memory_space<hbm>>
      %dma_start3A_56 = tpu.memref_squeeze %dma_start3A_55 : memref<1x128xi32, #tpu.memory_space<hbm>> -> memref<128xi32, #tpu.memory_space<hbm>>
      %dma_start3A_57 = tpu.memref_slice %arg3[%dma_start3A_54, %add3A_40] : memref<2x327680xi32, #tpu.memory_space<hbm>> -> memref<1x128xi32, #tpu.memory_space<hbm>>
      %dma_start3A_58 = tpu.memref_squeeze %dma_start3A_57 : memref<1x128xi32, #tpu.memory_space<hbm>> -> memref<128xi32, #tpu.memory_space<hbm>>
      tpu.enqueue_dma source(%dma_start3A_58 : memref<128xi32, #tpu.memory_space<hbm>>) target(%arg7 : memref<128xi32, #tpu.memory_space<vmem>>) target_semaphore(%arg14 : memref<!tpu.dma_semaphore, #tpu.memory_space<semaphore_mem>>)
      %dma_start3A_59 = arith.constant 1 : i32
      %dma_start3A_60 = tpu.memref_slice %arg3[%dma_start3A_59, %add3A_40] : memref<2x327680xi32, #tpu.memory_space<hbm>> -> memref<1x128xi32, #tpu.memory_space<hbm>>
      %dma_start3A_61 = tpu.memref_squeeze %dma_start3A_60 : memref<1x128xi32, #tpu.memory_space<hbm>> -> memref<128xi32, #tpu.memory_space<hbm>>
      %dma_start3A_62 = tpu.memref_slice %arg3[%dma_start3A_59, %add3A_40] : memref<2x327680xi32, #tpu.memory_space<hbm>> -> memref<1x128xi32, #tpu.memory_space<hbm>>
      %dma_start3A_63 = tpu.memref_squeeze %dma_start3A_62 : memref<1x128xi32, #tpu.memory_space<hbm>> -> memref<128xi32, #tpu.memory_space<hbm>>
      tpu.enqueue_dma source(%dma_start3A_63 : memref<128xi32, #tpu.memory_space<hbm>>) target(%arg9 : memref<128xi32, #tpu.memory_space<vmem>>) target_semaphore(%arg14 : memref<!tpu.dma_semaphore, #tpu.memory_space<semaphore_mem>>)
      %dma_wait3A_64 = arith.constant 0 : i32
      %dma_wait3A_65 = tpu.memref_slice %arg3[%dma_wait3A_64, %add3A_38] : memref<2x327680xi32, #tpu.memory_space<hbm>> -> memref<1x128xi32, #tpu.memory_space<hbm>>
      %dma_wait3A_66 = tpu.memref_squeeze %dma_wait3A_65 : memref<1x128xi32, #tpu.memory_space<hbm>> -> memref<128xi32, #tpu.memory_space<hbm>>
      %dma_wait3A_67 = tpu.memref_slice %arg3[%dma_wait3A_64, %add3A_38] : memref<2x327680xi32, #tpu.memory_space<hbm>> -> memref<1x128xi32, #tpu.memory_space<hbm>>
      %dma_wait3A_68 = tpu.memref_squeeze %dma_wait3A_67 : memref<1x128xi32, #tpu.memory_space<hbm>> -> memref<128xi32, #tpu.memory_space<hbm>>
      tpu.wait_dma2 semaphore(%arg13 : memref<!tpu.dma_semaphore, #tpu.memory_space<semaphore_mem>>) src(%dma_wait3A_68 : memref<128xi32, #tpu.memory_space<hbm>>) dst(%arg6 : memref<128xi32, #tpu.memory_space<vmem>>)
      %dma_wait3A_69 = arith.constant 1 : i32
      %dma_wait3A_70 = tpu.memref_slice %arg3[%dma_wait3A_69, %add3A_38] : memref<2x327680xi32, #tpu.memory_space<hbm>> -> memref<1x128xi32, #tpu.memory_space<hbm>>
      %dma_wait3A_71 = tpu.memref_squeeze %dma_wait3A_70 : memref<1x128xi32, #tpu.memory_space<hbm>> -> memref<128xi32, #tpu.memory_space<hbm>>
      %dma_wait3A_72 = tpu.memref_slice %arg3[%dma_wait3A_69, %add3A_38] : memref<2x327680xi32, #tpu.memory_space<hbm>> -> memref<1x128xi32, #tpu.memory_space<hbm>>
      %dma_wait3A_73 = tpu.memref_squeeze %dma_wait3A_72 : memref<1x128xi32, #tpu.memory_space<hbm>> -> memref<128xi32, #tpu.memory_space<hbm>>
      tpu.wait_dma2 semaphore(%arg13 : memref<!tpu.dma_semaphore, #tpu.memory_space<semaphore_mem>>) src(%dma_wait3A_73 : memref<128xi32, #tpu.memory_space<hbm>>) dst(%arg8 : memref<128xi32, #tpu.memory_space<vmem>>)
      %dma_start3A_74 = arith.constant 0 : i32
      %dma_start3A_75 = arith.constant 0 : i32
      %dma_start3A_76 = tpu.memref_slice %arg2[%dma_start3A_74, %dma_start3A_75] : memref<10000x128xf32, #tpu.memory_space<hbm>> -> memref<10000x128xf32, #tpu.memory_space<hbm>>
      tpu.enqueue_indirect_dma source(%dma_start3A_76 : memref<10000x128xf32, #tpu.memory_space<hbm>>) target(%arg10 : memref<128x128xf32, #tpu.memory_space<vmem>>) offsets(%arg6 : memref<128xi32, #tpu.memory_space<vmem>>) semaphore(%arg15 : memref<!tpu.dma_semaphore, #tpu.memory_space<semaphore_mem>>)
      %dma_wait3A_77 = arith.constant 0 : i32
      %dma_wait3A_78 = tpu.memref_slice %arg3[%dma_wait3A_77, %add3A_40] : memref<2x327680xi32, #tpu.memory_space<hbm>> -> memref<1x128xi32, #tpu.memory_space<hbm>>
      %dma_wait3A_79 = tpu.memref_squeeze %dma_wait3A_78 : memref<1x128xi32, #tpu.memory_space<hbm>> -> memref<128xi32, #tpu.memory_space<hbm>>
      %dma_wait3A_80 = tpu.memref_slice %arg3[%dma_wait3A_77, %add3A_40] : memref<2x327680xi32, #tpu.memory_space<hbm>> -> memref<1x128xi32, #tpu.memory_space<hbm>>
      %dma_wait3A_81 = tpu.memref_squeeze %dma_wait3A_80 : memref<1x128xi32, #tpu.memory_space<hbm>> -> memref<128xi32, #tpu.memory_space<hbm>>
      tpu.wait_dma2 semaphore(%arg14 : memref<!tpu.dma_semaphore, #tpu.memory_space<semaphore_mem>>) src(%dma_wait3A_81 : memref<128xi32, #tpu.memory_space<hbm>>) dst(%arg7 : memref<128xi32, #tpu.memory_space<vmem>>)
      %dma_wait3A_82 = arith.constant 1 : i32
      %dma_wait3A_83 = tpu.memref_slice %arg3[%dma_wait3A_82, %add3A_40] : memref<2x327680xi32, #tpu.memory_space<hbm>> -> memref<1x128xi32, #tpu.memory_space<hbm>>
      %dma_wait3A_84 = tpu.memref_squeeze %dma_wait3A_83 : memref<1x128xi32, #tpu.memory_space<hbm>> -> memref<128xi32, #tpu.memory_space<hbm>>
      %dma_wait3A_85 = tpu.memref_slice %arg3[%dma_wait3A_82, %add3A_40] : memref<2x327680xi32, #tpu.memory_space<hbm>> -> memref<1x128xi32, #tpu.memory_space<hbm>>
      %dma_wait3A_86 = tpu.memref_squeeze %dma_wait3A_85 : memref<1x128xi32, #tpu.memory_space<hbm>> -> memref<128xi32, #tpu.memory_space<hbm>>
      tpu.wait_dma2 semaphore(%arg14 : memref<!tpu.dma_semaphore, #tpu.memory_space<semaphore_mem>>) src(%dma_wait3A_86 : memref<128xi32, #tpu.memory_space<hbm>>) dst(%arg9 : memref<128xi32, #tpu.memory_space<vmem>>)
      %dma_start3A_87 = arith.constant 0 : i32
      %dma_start3A_88 = arith.constant 0 : i32
      %dma_start3A_89 = tpu.memref_slice %arg2[%dma_start3A_87, %dma_start3A_88] : memref<10000x128xf32, #tpu.memory_space<hbm>> -> memref<10000x128xf32, #tpu.memory_space<hbm>>
      tpu.enqueue_indirect_dma source(%dma_start3A_89 : memref<10000x128xf32, #tpu.memory_space<hbm>>) target(%arg11 : memref<128x128xf32, #tpu.memory_space<vmem>>) offsets(%arg7 : memref<128xi32, #tpu.memory_space<vmem>>) semaphore(%arg16 : memref<!tpu.dma_semaphore, #tpu.memory_space<semaphore_mem>>)
      %dma_wait3A_90 = arith.constant 0 : i32
      %dma_wait3A_91 = arith.constant 0 : i32
      %dma_wait3A_92 = tpu.memref_slice %arg2[%dma_wait3A_90, %dma_wait3A_91] : memref<10000x128xf32, #tpu.memory_space<hbm>> -> memref<10000x128xf32, #tpu.memory_space<hbm>>
      tpu.wait_indirect_dma semaphore(%arg15 : memref<!tpu.dma_semaphore, #tpu.memory_space<semaphore_mem>>) src(%dma_wait3A_92 : memref<10000x128xf32, #tpu.memory_space<hbm>>) dst(%arg10 : memref<128x128xf32, #tpu.memory_space<vmem>>)
      %dma_start3A_93 = arith.constant 0 : i32
      %dma_start3A_94 = arith.constant 0 : i32
      %dma_start3A_95 = tpu.memref_slice %arg12[%dma_start3A_93, %dma_start3A_94] : memref<10112x128xf32, #tpu.memory_space<vmem_shared>> -> memref<10112x128xf32, #tpu.memory_space<vmem_shared>>
      tpu.enqueue_indirect_dma source(%arg10 : memref<128x128xf32, #tpu.memory_space<vmem>>) target(%dma_start3A_95 : memref<10112x128xf32, #tpu.memory_space<vmem_shared>>) offsets(%arg8 : memref<128xi32, #tpu.memory_space<vmem>>) semaphore(%arg17 : memref<!tpu.dma_semaphore, #tpu.memory_space<semaphore_mem>>) {add = true}
      %dma_wait3A_96 = arith.constant 0 : i32
      %dma_wait3A_97 = arith.constant 0 : i32
      %dma_wait3A_98 = tpu.memref_slice %arg2[%dma_wait3A_96, %dma_wait3A_97] : memref<10000x128xf32, #tpu.memory_space<hbm>> -> memref<10000x128xf32, #tpu.memory_space<hbm>>
      tpu.wait_indirect_dma semaphore(%arg16 : memref<!tpu.dma_semaphore, #tpu.memory_space<semaphore_mem>>) src(%dma_wait3A_98 : memref<10000x128xf32, #tpu.memory_space<hbm>>) dst(%arg11 : memref<128x128xf32, #tpu.memory_space<vmem>>)
      %dma_wait3A_99 = arith.constant 0 : i32
      %dma_wait3A_100 = arith.constant 0 : i32
      %dma_wait3A_101 = tpu.memref_slice %arg12[%dma_wait3A_99, %dma_wait3A_100] : memref<10112x128xf32, #tpu.memory_space<vmem_shared>> -> memref<10112x128xf32, #tpu.memory_space<vmem_shared>>
      tpu.wait_indirect_dma semaphore(%arg17 : memref<!tpu.dma_semaphore, #tpu.memory_space<semaphore_mem>>) src(%arg10 : memref<128x128xf32, #tpu.memory_space<vmem>>) dst(%dma_wait3A_101 : memref<10112x128xf32, #tpu.memory_space<vmem_shared>>)
      %dma_start3A_102 = arith.constant 0 : i32
      %dma_start3A_103 = arith.constant 0 : i32
      %dma_start3A_104 = tpu.memref_slice %arg12[%dma_start3A_102, %dma_start3A_103] : memref<10112x128xf32, #tpu.memory_space<vmem_shared>> -> memref<10112x128xf32, #tpu.memory_space<vmem_shared>>
      tpu.enqueue_indirect_dma source(%arg11 : memref<128x128xf32, #tpu.memory_space<vmem>>) target(%dma_start3A_104 : memref<10112x128xf32, #tpu.memory_space<vmem_shared>>) offsets(%arg9 : memref<128xi32, #tpu.memory_space<vmem>>) semaphore(%arg17 : memref<!tpu.dma_semaphore, #tpu.memory_space<semaphore_mem>>) {add = true}
    }
    %scan3A_24 = arith.constant 40 : i32
    %dma_wait3A_25 = arith.constant 0 : i32
    %dma_wait3A_26 = arith.constant 0 : i32
    %dma_wait3A_27 = tpu.memref_slice %arg12[%dma_wait3A_25, %dma_wait3A_26] : memref<10112x128xf32, #tpu.memory_space<vmem_shared>> -> memref<10112x128xf32, #tpu.memory_space<vmem_shared>>
    tpu.wait_indirect_dma semaphore(%arg17 : memref<!tpu.dma_semaphore, #tpu.memory_space<semaphore_mem>>) src(%arg11 : memref<128x128xf32, #tpu.memory_space<vmem>>) dst(%dma_wait3A_27 : memref<10112x128xf32, #tpu.memory_space<vmem_shared>>)
    %barrier3A_28 = arith.constant 0 : index
    tpu.barrier barrier_id(%barrier3A_28)
    %mul3A_29 = arith.constant 632 : i32
    %mul3A_30 = arith.muli %arg1, %mul3A_29 : i32
    %mul3A_31 = arith.constant 632 : i32
    %mul3A_32 = arith.muli %arg1, %mul3A_31 : i32
    "tpu.region"() ({
      %run_scoped3A = tpu.sem_alloc : memref<!tpu.dma_semaphore, #tpu.memory_space<semaphore_mem>>
      %dma_start3A_33 = arith.constant 0 : i32
      %dma_start3A_34 = tpu.memref_slice %arg5[%arg0, %mul3A_32, %dma_start3A_33] : memref<2x10112x128xf32, #tpu.memory_space<hbm>> -> memref<1x632x128xf32, #tpu.memory_space<hbm>>
      %dma_start3A_35 = tpu.memref_squeeze %dma_start3A_34 : memref<1x632x128xf32, #tpu.memory_space<hbm>> -> memref<632x128xf32, #tpu.memory_space<hbm>>
      %dma_start3A_36 = arith.constant 0 : i32
      %dma_start3A_37 = tpu.memref_slice %arg12[%mul3A_30, %dma_start3A_36] : memref<10112x128xf32, #tpu.memory_space<vmem_shared>> -> memref<632x128xf32, #tpu.memory_space<vmem_shared>>
      tpu.enqueue_dma source(%dma_start3A_37 : memref<632x128xf32, #tpu.memory_space<vmem_shared>>) target(%dma_start3A_35 : memref<632x128xf32, #tpu.memory_space<hbm>>) target_semaphore(%run_scoped3A : memref<!tpu.dma_semaphore, #tpu.memory_space<semaphore_mem>>)
      %dma_wait3A_38 = arith.constant 0 : i32
      %dma_wait3A_39 = tpu.memref_slice %arg5[%arg0, %mul3A_32, %dma_wait3A_38] : memref<2x10112x128xf32, #tpu.memory_space<hbm>> -> memref<1x632x128xf32, #tpu.memory_space<hbm>>
      %dma_wait3A_40 = tpu.memref_squeeze %dma_wait3A_39 : memref<1x632x128xf32, #tpu.memory_space<hbm>> -> memref<632x128xf32, #tpu.memory_space<hbm>>
      %dma_wait3A_41 = arith.constant 0 : i32
      %dma_wait3A_42 = tpu.memref_slice %arg12[%mul3A_30, %dma_wait3A_41] : memref<10112x128xf32, #tpu.memory_space<vmem_shared>> -> memref<632x128xf32, #tpu.memory_space<vmem_shared>>
      tpu.wait_dma2 semaphore(%run_scoped3A : memref<!tpu.dma_semaphore, #tpu.memory_space<semaphore_mem>>) src(%dma_wait3A_42 : memref<632x128xf32, #tpu.memory_space<vmem_shared>>) dst(%dma_wait3A_40 : memref<632x128xf32, #tpu.memory_space<hbm>>)
      tpu.yield
    }) : () -> ()
    return
  }
}

module attributes {stable_mosaic.version = 14 : i64} {
  func.func @_ux_body(%arg0: i32, %arg1: memref<1000x128xf32, #tpu.memory_space<vmem>>, %arg2: memref<2x1000x128xf32, #tpu.memory_space<vmem>>, %arg3: memref<1000x128xf32, #tpu.memory_space<vmem>>, %arg4: memref<1000x1xf32, #tpu.memory_space<vmem>>) attributes {dimension_semantics = [#tpu.dimension_semantics<arbitrary>], iteration_bounds = array<i64: 10>, scalar_prefetch = 0 : i64, scratch_operands = 0 : i64, tpu.core_type = #tpu.core_type<tc>, window_params = [{transform_indices = @transform_0, window_bounds = array<i64: 1000, 128>}, {transform_indices = @transform_1, window_bounds = array<i64: 2, 1000, 128>}, {transform_indices = @transform_2, window_bounds = array<i64: 1000, 128>}, {transform_indices = @transform_3, window_bounds = array<i64: 1000, 1>}]} {
    %get3A = arith.constant 0 : index
    %get3A_0 = arith.constant 0 : index
    %get3A_1 = arith.constant 0 : index
    %get3A_2 = vector.load %arg2[%get3A, %get3A_0, %get3A_1] : memref<2x1000x128xf32, #tpu.memory_space<vmem>>, vector<1x1000x1xf32>
    %get3A_3 = vector.shape_cast %get3A_2 : vector<1x1000x1xf32> to vector<1000x1xf32>
    %get3A_4 = arith.constant 1 : index
    %get3A_5 = arith.constant 0 : index
    %get3A_6 = arith.constant 0 : index
    %get3A_7 = vector.load %arg2[%get3A_4, %get3A_5, %get3A_6] : memref<2x1000x128xf32, #tpu.memory_space<vmem>>, vector<1x1000x1xf32>
    %get3A_8 = vector.shape_cast %get3A_7 : vector<1x1000x1xf32> to vector<1000x1xf32>
    %add3A = arith.addf %get3A_3, %get3A_8 : vector<1000x1xf32>
    %add3A_9 = arith.constant 1.000000e+00 : f32
    %add3A_10 = vector.broadcast %add3A_9 : f32 to vector<1000x1xf32>
    %add3A_11 = arith.addf %add3A, %add3A_10 : vector<1000x1xf32>
    %rsqrt3A = math.rsqrt %add3A_11 : vector<1000x1xf32>
    %get3A_12 = arith.constant 0 : index
    %get3A_13 = arith.constant 0 : index
    %get3A_14 = vector.load %arg1[%get3A_12, %get3A_13] : memref<1000x128xf32, #tpu.memory_space<vmem>>, vector<1000x128xf32>
    %mul3A = vector.broadcast %rsqrt3A : vector<1000x1xf32> to vector<1000x128xf32>
    %mul3A_15 = arith.mulf %get3A_14, %mul3A : vector<1000x128xf32>
    %swap3A = arith.constant 0 : index
    %swap3A_16 = arith.constant 0 : index
    %swap3A_17 = vector.load %arg3[%swap3A, %swap3A_16] : memref<1000x128xf32, #tpu.memory_space<vmem>>, vector<1000x128xf32>
    tpu.vector_store %arg3[%swap3A, %swap3A_16], %mul3A_15 {strides = array<i32>} : memref<1000x128xf32, #tpu.memory_space<vmem>>, vector<1000x128xf32>,
    %swap3A_18 = arith.constant 0 : index
    %swap3A_19 = arith.constant 0 : index
    %swap3A_20 = vector.load %arg4[%swap3A_18, %swap3A_19] : memref<1000x1xf32, #tpu.memory_space<vmem>>, vector<1000x1xf32>
    tpu.vector_store %arg4[%swap3A_18, %swap3A_19], %rsqrt3A {strides = array<i32>} : memref<1000x1xf32, #tpu.memory_space<vmem>>, vector<1000x1xf32>,
    return
  }
  func.func @transform_0(%arg0: i32) -> (i32, i32) {
    %c0_i32 = arith.constant 0 : i32
    %c0_i32_0 = arith.constant 0 : i32
    return %arg0, %c0_i32 : i32, i32
  }
  func.func @transform_1(%arg0: i32) -> (i32, i32, i32) {
    %c0_i32 = arith.constant 0 : i32
    %c0_i32_0 = arith.constant 0 : i32
    %c0_i32_1 = arith.constant 0 : i32
    return %c0_i32, %arg0, %c0_i32_0 : i32, i32, i32
  }
  func.func @transform_2(%arg0: i32) -> (i32, i32) {
    %c0_i32 = arith.constant 0 : i32
    %c0_i32_0 = arith.constant 0 : i32
    return %arg0, %c0_i32 : i32, i32
  }
  func.func @transform_3(%arg0: i32) -> (i32, i32) {
    %c0_i32 = arith.constant 0 : i32
    %c0_i32_0 = arith.constant 0 : i32
    return %arg0, %c0_i32 : i32, i32
  }
}

module attributes {stable_mosaic.version = 14 : i64} {
  func.func @_hz2_body(%arg0: i32, %arg1: memref<2x1000x128xf32, #tpu.memory_space<vmem>>, %arg2: memref<1000x128xf32, #tpu.memory_space<vmem>>, %arg3: memref<1000x1xf32, #tpu.memory_space<vmem>>, %arg4: memref<1x256xf32, #tpu.memory_space<vmem>>, %arg5: memref<128x256xf32, #tpu.memory_space<vmem>>, %arg6: memref<256x128xf32, #tpu.memory_space<vmem>>, %arg7: memref<1000x128xf32, #tpu.memory_space<vmem>>) attributes {dimension_semantics = [#tpu.dimension_semantics<arbitrary>], iteration_bounds = array<i64: 10>, scalar_prefetch = 0 : i64, scratch_operands = 0 : i64, tpu.core_type = #tpu.core_type<tc>, window_params = [{transform_indices = @transform_0, window_bounds = array<i64: 2, 1000, 128>}, {transform_indices = @transform_1, window_bounds = array<i64: 1000, 128>}, {transform_indices = @transform_2, window_bounds = array<i64: 1000, 1>}, {pipeline_mode = #tpu.pipeline_mode<synchronous>, transform_indices = @transform_3, window_bounds = array<i64: 1, 256>}, {pipeline_mode = #tpu.pipeline_mode<synchronous>, transform_indices = @transform_4, window_bounds = array<i64: 128, 256>}, {pipeline_mode = #tpu.pipeline_mode<synchronous>, transform_indices = @transform_5, window_bounds = array<i64: 256, 128>}, {transform_indices = @transform_6, window_bounds = array<i64: 1000, 128>}]} {
    %get3A = arith.constant 0 : index
    %get3A_0 = arith.constant 0 : index
    %get3A_1 = vector.load %arg3[%get3A, %get3A_0] : memref<1000x1xf32, #tpu.memory_space<vmem>>, vector<1000x1xf32>
    %get3A_2 = arith.constant 0 : index
    %get3A_3 = arith.constant 0 : index
    %get3A_4 = arith.constant 0 : index
    %get3A_5 = vector.load %arg1[%get3A_2, %get3A_3, %get3A_4] : memref<2x1000x128xf32, #tpu.memory_space<vmem>>, vector<1x1000x128xf32>
    %get3A_6 = vector.shape_cast %get3A_5 : vector<1x1000x128xf32> to vector<1000x128xf32>
    %get3A_7 = arith.constant 1 : index
    %get3A_8 = arith.constant 0 : index
    %get3A_9 = arith.constant 0 : index
    %get3A_10 = vector.load %arg1[%get3A_7, %get3A_8, %get3A_9] : memref<2x1000x128xf32, #tpu.memory_space<vmem>>, vector<1x1000x128xf32>
    %get3A_11 = vector.shape_cast %get3A_10 : vector<1x1000x128xf32> to vector<1000x128xf32>
    %add3A = arith.addf %get3A_6, %get3A_11 : vector<1000x128xf32>
    %get3A_12 = arith.constant 0 : index
    %get3A_13 = arith.constant 0 : index
    %get3A_14 = vector.load %arg2[%get3A_12, %get3A_13] : memref<1000x128xf32, #tpu.memory_space<vmem>>, vector<1000x128xf32>
    %add3A_15 = arith.addf %add3A, %get3A_14 : vector<1000x128xf32>
    %mul3A = vector.broadcast %get3A_1 : vector<1000x1xf32> to vector<1000x128xf32>
    %mul3A_16 = arith.mulf %add3A_15, %mul3A : vector<1000x128xf32>
    %get3A_17 = arith.constant 0 : index
    %get3A_18 = arith.constant 0 : index
    %get3A_19 = vector.load %arg5[%get3A_17, %get3A_18] : memref<128x256xf32, #tpu.memory_space<vmem>>, vector<128x256xf32>
    %dot_general3A = arith.constant dense<0.000000e+00> : vector<1000x256xf32>
    %dot_general3A_20 = tpu.matmul %mul3A_16, %get3A_19, %dot_general3A {dimension_numbers = #tpu.dot_dimension_numbers<[1], [0], [0], [1], [0, 0, 1, 1], [], []>, transpose_lhs_hint = false} : vector<1000x128xf32>, vector<128x256xf32>, vector<1000x256xf32> -> vector<1000x256xf32>
    %get3A_21 = arith.constant 0 : index
    %get3A_22 = arith.constant 0 : index
    %get3A_23 = vector.load %arg4[%get3A_21, %get3A_22] : memref<1x256xf32, #tpu.memory_space<vmem>>, vector<1x256xf32>
    %add3A_24 = vector.broadcast %get3A_23 : vector<1x256xf32> to vector<1000x256xf32>
    %add3A_25 = arith.addf %dot_general3A_20, %add3A_24 : vector<1000x256xf32>
    %max3A = arith.constant 0.000000e+00 : f32
    %max3A_26 = vector.broadcast %max3A : f32 to vector<1000x256xf32>
    %max3A_27 = arith.maximumf %add3A_25, %max3A_26 : vector<1000x256xf32>
    %get3A_28 = arith.constant 0 : index
    %get3A_29 = arith.constant 0 : index
    %get3A_30 = vector.load %arg6[%get3A_28, %get3A_29] : memref<256x128xf32, #tpu.memory_space<vmem>>, vector<256x128xf32>
    %dot_general3A_31 = arith.constant dense<0.000000e+00> : vector<1000x128xf32>
    %dot_general3A_32 = tpu.matmul %max3A_27, %get3A_30, %dot_general3A_31 {dimension_numbers = #tpu.dot_dimension_numbers<[1], [0], [0], [1], [0, 0, 1, 1], [], []>, transpose_lhs_hint = false} : vector<1000x256xf32>, vector<256x128xf32>, vector<1000x128xf32> -> vector<1000x128xf32>
    %mul3A_33 = vector.broadcast %get3A_1 : vector<1000x1xf32> to vector<1000x128xf32>
    %mul3A_34 = arith.mulf %dot_general3A_32, %mul3A_33 : vector<1000x128xf32>
    %swap3A = arith.constant 0 : index
    %swap3A_35 = arith.constant 0 : index
    %swap3A_36 = vector.load %arg7[%swap3A, %swap3A_35] : memref<1000x128xf32, #tpu.memory_space<vmem>>, vector<1000x128xf32>
    tpu.vector_store %arg7[%swap3A, %swap3A_35], %mul3A_34 {strides = array<i32>} : memref<1000x128xf32, #tpu.memory_space<vmem>>, vector<1000x128xf32>,
    return
  }
  func.func @transform_0(%arg0: i32) -> (i32, i32, i32) {
    %c0_i32 = arith.constant 0 : i32
    %c0_i32_0 = arith.constant 0 : i32
    %c0_i32_1 = arith.constant 0 : i32
    return %c0_i32, %arg0, %c0_i32_0 : i32, i32, i32
  }
  func.func @transform_1(%arg0: i32) -> (i32, i32) {
    %c0_i32 = arith.constant 0 : i32
    %c0_i32_0 = arith.constant 0 : i32
    return %arg0, %c0_i32 : i32, i32
  }
  func.func @transform_2(%arg0: i32) -> (i32, i32) {
    %c0_i32 = arith.constant 0 : i32
    %c0_i32_0 = arith.constant 0 : i32
    return %arg0, %c0_i32 : i32, i32
  }
  func.func @transform_3(%arg0: i32) -> (i32, i32) {
    %c0_i32 = arith.constant 0 : i32
    %c0_i32_0 = arith.constant 0 : i32
    %c0_i32_1 = arith.constant 0 : i32
    return %c0_i32, %c0_i32_0 : i32, i32
  }
  func.func @transform_4(%arg0: i32) -> (i32, i32) {
    %c0_i32 = arith.constant 0 : i32
    %c0_i32_0 = arith.constant 0 : i32
    %c0_i32_1 = arith.constant 0 : i32
    return %c0_i32, %c0_i32_0 : i32, i32
  }
  func.func @transform_5(%arg0: i32) -> (i32, i32) {
    %c0_i32 = arith.constant 0 : i32
    %c0_i32_0 = arith.constant 0 : i32
    %c0_i32_1 = arith.constant 0 : i32
    return %c0_i32, %c0_i32_0 : i32, i32
  }
  func.func @transform_6(%arg0: i32) -> (i32, i32) {
    %c0_i32 = arith.constant 0 : i32
    %c0_i32_0 = arith.constant 0 : i32
    return %arg0, %c0_i32 : i32, i32
  }
}

module attributes {stable_mosaic.version = 14 : i64} {
  func.func @_out_body(%arg0: i32, %arg1: memref<2x1000x128xf32, #tpu.memory_space<vmem>>, %arg2: memref<1000x128xf32, #tpu.memory_space<vmem>>, %arg3: memref<1000x1xf32, #tpu.memory_space<vmem>>, %arg4: memref<1x128xf32, #tpu.memory_space<vmem>>, %arg5: memref<1000x128xf32, #tpu.memory_space<vmem>>) attributes {dimension_semantics = [#tpu.dimension_semantics<arbitrary>], iteration_bounds = array<i64: 10>, scalar_prefetch = 0 : i64, scratch_operands = 0 : i64, tpu.core_type = #tpu.core_type<tc>, window_params = [{transform_indices = @transform_0, window_bounds = array<i64: 2, 1000, 128>}, {transform_indices = @transform_1, window_bounds = array<i64: 1000, 128>}, {transform_indices = @transform_2, window_bounds = array<i64: 1000, 1>}, {pipeline_mode = #tpu.pipeline_mode<synchronous>, transform_indices = @transform_3, window_bounds = array<i64: 1, 128>}, {transform_indices = @transform_4, window_bounds = array<i64: 1000, 128>}]} {
    %get3A = arith.constant 0 : index
    %get3A_0 = arith.constant 0 : index
    %get3A_1 = arith.constant 0 : index
    %get3A_2 = vector.load %arg1[%get3A, %get3A_0, %get3A_1] : memref<2x1000x128xf32, #tpu.memory_space<vmem>>, vector<1x1000x128xf32>
    %get3A_3 = vector.shape_cast %get3A_2 : vector<1x1000x128xf32> to vector<1000x128xf32>
    %get3A_4 = arith.constant 1 : index
    %get3A_5 = arith.constant 0 : index
    %get3A_6 = arith.constant 0 : index
    %get3A_7 = vector.load %arg1[%get3A_4, %get3A_5, %get3A_6] : memref<2x1000x128xf32, #tpu.memory_space<vmem>>, vector<1x1000x128xf32>
    %get3A_8 = vector.shape_cast %get3A_7 : vector<1x1000x128xf32> to vector<1000x128xf32>
    %add3A = arith.addf %get3A_3, %get3A_8 : vector<1000x128xf32>
    %get3A_9 = arith.constant 0 : index
    %get3A_10 = arith.constant 0 : index
    %get3A_11 = vector.load %arg2[%get3A_9, %get3A_10] : memref<1000x128xf32, #tpu.memory_space<vmem>>, vector<1000x128xf32>
    %add3A_12 = arith.addf %add3A, %get3A_11 : vector<1000x128xf32>
    %get3A_13 = arith.constant 0 : index
    %get3A_14 = arith.constant 0 : index
    %get3A_15 = vector.load %arg3[%get3A_13, %get3A_14] : memref<1000x1xf32, #tpu.memory_space<vmem>>, vector<1000x1xf32>
    %mul3A = vector.broadcast %get3A_15 : vector<1000x1xf32> to vector<1000x128xf32>
    %mul3A_16 = arith.mulf %add3A_12, %mul3A : vector<1000x128xf32>
    %get3A_17 = arith.constant 0 : index
    %get3A_18 = arith.constant 0 : index
    %get3A_19 = vector.load %arg4[%get3A_17, %get3A_18] : memref<1x128xf32, #tpu.memory_space<vmem>>, vector<1x128xf32>
    %add3A_20 = vector.broadcast %get3A_19 : vector<1x128xf32> to vector<1000x128xf32>
    %add3A_21 = arith.addf %mul3A_16, %add3A_20 : vector<1000x128xf32>
    %max3A = arith.constant 0.000000e+00 : f32
    %max3A_22 = vector.broadcast %max3A : f32 to vector<1000x128xf32>
    %max3A_23 = arith.maximumf %add3A_21, %max3A_22 : vector<1000x128xf32>
    %swap3A = arith.constant 0 : index
    %swap3A_24 = arith.constant 0 : index
    %swap3A_25 = vector.load %arg5[%swap3A, %swap3A_24] : memref<1000x128xf32, #tpu.memory_space<vmem>>, vector<1000x128xf32>
    tpu.vector_store %arg5[%swap3A, %swap3A_24], %max3A_23 {strides = array<i32>} : memref<1000x128xf32, #tpu.memory_space<vmem>>, vector<1000x128xf32>,
    return
  }
  func.func @transform_0(%arg0: i32) -> (i32, i32, i32) {
    %c0_i32 = arith.constant 0 : i32
    %c0_i32_0 = arith.constant 0 : i32
    %c0_i32_1 = arith.constant 0 : i32
    return %c0_i32, %arg0, %c0_i32_0 : i32, i32, i32
  }
  func.func @transform_1(%arg0: i32) -> (i32, i32) {
    %c0_i32 = arith.constant 0 : i32
    %c0_i32_0 = arith.constant 0 : i32
    return %arg0, %c0_i32 : i32, i32
  }
  func.func @transform_2(%arg0: i32) -> (i32, i32) {
    %c0_i32 = arith.constant 0 : i32
    %c0_i32_0 = arith.constant 0 : i32
    return %arg0, %c0_i32 : i32, i32
  }
  func.func @transform_3(%arg0: i32) -> (i32, i32) {
    %c0_i32 = arith.constant 0 : i32
    %c0_i32_0 = arith.constant 0 : i32
    %c0_i32_1 = arith.constant 0 : i32
    return %c0_i32, %c0_i32_0 : i32, i32
  }
  func.func @transform_4(%arg0: i32) -> (i32, i32) {
    %c0_i32 = arith.constant 0 : i32
    %c0_i32_0 = arith.constant 0 : i32
    return %arg0, %c0_i32 : i32, i32
  }
}

</mosaic_0001>

<sc_bundles>
// kernel: kernel.11.cloned.1.call-start
scs
__scs_entry_jumppad:
0x0: {  	(pc) =	sbr.rel $0x88, $3  }
0x1: {  	(tag) =	ssettag $0x0;
	lr =	simm.s32 $0x1  }
0x2: {  	[smem:$0x3F99] =	sst lr;
	_ =	strace $0xD0000000  }
0x3: {  	_ = 	snop  }
0x4: {  	_ = 	snop  }
0x5: {  	_ = 	snop  }
0x6: {  	_ = 	snop  }
0x7: {  	_ = 	snop  }
__scs_overlays_trampoline_lowered:
0x8: {  	[smem:$0x3FA8] =	sst s0  }
0x9: {  	[smem:$0x3FA9] =	sst s1  }
0xa: {  	[smem:$0x3FAA] =	sst s2  }
0xb: {  	[smem:$0x3FAB] =	sst s3  }
0xc: {  	[smem:$0x3FAC] =	sst s4  }
0xd: {  	[smem:$0x3FAD] =	sst s5  }
0xe: {  	[smem:$0x3FAE] =	sst s6  }
0xf: {  	[smem:$0x3FAF] =	sst s7  }
0x10: {  	[smem:$0x3FB0] =	sst s8  }
0x11: {  	[smem:$0x3FB1] =	sst s9;
	s0 =	simm.s32 @!p0 $0x0  }
0x12: {  	s1 =	sld [smem:$0x3F97];
	s0 =	simm.s32 @p0 $0x1  }
0x13: {  	[smem:$0x3FB2] =	sst s0;
	s0 =	simm.s32 @!p1 $0x0  }
0x14: {  	s2 =	sld [smem:$0x3F96];
	s0 =	simm.s32 @p1 $0x1  }
0x15: {  	[smem:$0x3FB3] =	sst s0;
	s0 =	simm.s32 @!p2 $0x0  }
0x16: {  	s3 =	sld [smem:$0x3FDB];
	s0 =	simm.s32 @p2 $0x1  }
0x17: {  	s4 =	simm.s32 $0x1BF5;
	[smem:$0x3FB5] =	sst s0  }
0x18: {  	s0 =	sld [smem:$0x3F98];
	_ =	swait.ge [sflag:s4], $0x0  }
0x19: {  	s7 =	sld [smem:$0x3F99]  }
0x1a: {  	s8 =	sadd.s32 $0xFFFFE003, lr  }
0x1b: {  	s9 =	sadd.s32 $0xFFFFFEF7, lr;
	s5 =	simm.s32 $0xFFFFFFFF;
	p2 =	slt.u32 s8, $0xFFFFF086  }
0x1c: {  	p1 =	slt.u32 s9, $0xF7A;
	s5 =	simm.s32 @!p2 $0x0  }
0x1d: {  	s5 =	simm.s32 @p1 $0x1;
	p0 =	seq.s32 s7, s2  }
0x1e: {  	s7 =	smul.u32 @!p0 $0xF7A, s2;
	p2 =	seq.s32 @!p0 s5, $0x0  }
0x1f: {  	s9 =	smul.u32 $0xF7A, s1;
	s8 =	simm.s32 @!p0 $0x1BF5;
	p2 =	por !p2, p0  }
0x20: {  	[sflag:s8] =	ssyncset.s32 @!p0 $0xFFFFF086;
	s6 =	sadd.s32 @!p0 s3, s7;
	s7 =	simm.s32 @!p0 $0x108  }
0x21: {  	s3 =	sadd.s32 s3, s9;
	s6 =	sadd.s32 @!p0 $0x88, s6;
	s7 =	simm.s32 @p2 $0x1082  }
0x22: {  	[simem:s7], [sflag:s8] =	dma.local @!p0 [hbm:s6], $0xF7A  }
0x23: {  	s9 =	sor.u32 $0xD0000000, s2;
	s6 =	simm.s32 $0x108;
	_ =	swait.ge @!p0 [sflag:s8], $0x0  }
0x24: {  	s3 =	sadd.s32 $0x88, s3;
	s6 =	simm.s32 @!p1 $0x1082;
	[sflag:s4] =	ssyncset.s32 $0xFFFFF086  }
0x25: {  	[simem:s6], [sflag:s4] =	dma.local [hbm:s3], $0xF7A  }
0x26: {  	[smem:$0x3F99] =	sst s1;
	(tag) =	ssettag s2;
	_ =	strace s9  }
0x27: {  	s1 =	sld [smem:$0x3FA9]  }
0x28: {  	s2 =	sld [smem:$0x3FAA]  }
0x29: {  	s4 =	sld [smem:$0x3FAC]  }
0x2a: {  	p0 =	seq.s32 s5, $0x0;
	s5 =	sld [smem:$0x3FAD]  }
0x2b: {  	s6 =	sld [smem:$0x3FAE]  }
0x2c: {  	s7 =	sld [smem:$0x3FAF]  }
0x2d: {  	s3 =	simm.s32 $0x108;
	s8 =	sld [smem:$0x3FB0]  }
0x2e: {  	s3 =	simm.s32 @!p0 $0x1082;
	s9 =	sld [smem:$0x3FB1]  }
0x2f: {  	lr =	sadd.s32 s0, s3;
	s0 =	sld [smem:$0x3FA8]  }
0x30: {  	s3 =	sld [smem:$0x3FAB]  }
0x31: {  	[smem:$0x3FB4] =	sst s10  }
0x32: {  	s10 =	sld [smem:$0x3FB2];
	_ =	sdelay $0x3  }
0x33: {  	p0 =	seq.s32 s10, $0x1;
	s10 =	sld [smem:$0x3FB4];
	_ =	sdelay $0x3  }
0x34: {  	[smem:$0x3FB4] =	sst s10  }
0x35: {  	s10 =	sld [smem:$0x3FB3];
	_ =	sdelay $0x3  }
0x36: {  	p1 =	seq.s32 s10, $0x1;
	s10 =	sld [smem:$0x3FB4];
	_ =	sdelay $0x3  }
0x37: {  	[smem:$0x3FB4] =	sst s10  }
0x38: {  	s10 =	sld [smem:$0x3FB5]  }
0x39: {  	_ = 	snop;
	(pc) =	sbr.ind lr, $3  }
0x3a: {  	_ = 	snop  }
0x3b: {  	_ = 	snop  }
0x3c: {  	p2 =	seq.s32 s10, $0x1;
	s10 =	sld [smem:$0x3FB4]  }
0x3d: {  	_ =	shalt  }
0x3e: {  	_ =	shalt  }
0x3f: {  	_ =	shalt  }
0x40: {  	_ =	shalt  }
0x41: {  	_ =	shalt  }
0x42: {  	_ =	shalt  }
0x43: {  	_ =	shalt  }
0x44: {  	_ =	shalt  }
0x45: {  	_ =	shalt  }
0x46: {  	_ =	shalt  }
0x47: {  	_ =	shalt  }
0x48: {  	_ =	shalt  }
0x49: {  	_ =	shalt  }
0x4a: {  	_ =	shalt  }
0x4b: {  	_ =	shalt  }
0x4c: {  	_ =	shalt  }
0x4d: {  	_ =	shalt  }
0x4e: {  	_ =	shalt  }
0x4f: {  	_ =	shalt  }
0x50: {  	_ =	shalt  }
0x51: {  	_ =	shalt  }
0x52: {  	_ =	shalt  }
0x53: {  	_ =	shalt  }
0x54: {  	_ =	shalt  }
0x55: {  	_ =	shalt  }
0x56: {  	_ =	shalt  }
0x57: {  	_ =	shalt  }
0x58: {  	_ =	shalt  }
0x59: {  	_ =	shalt  }
0x5a: {  	_ =	shalt  }
0x5b: {  	_ =	shalt  }
0x5c: {  	_ =	shalt  }
0x5d: {  	_ =	shalt  }
0x5e: {  	_ =	shalt  }
0x5f: {  	_ =	shalt  }
0x60: {  	_ =	shalt  }
0x61: {  	_ =	shalt  }
0x62: {  	_ =	shalt  }
0x63: {  	_ =	shalt  }
0x64: {  	_ =	shalt  }
0x65: {  	_ =	shalt  }
0x66: {  	_ =	shalt  }
0x67: {  	_ =	shalt  }
0x68: {  	_ =	shalt  }
0x69: {  	_ =	shalt  }
0x6a: {  	_ =	shalt  }
0x6b: {  	_ =	shalt  }
0x6c: {  	_ =	shalt  }
0x6d: {  	_ =	shalt  }
0x6e: {  	_ =	shalt  }
0x6f: {  	_ =	shalt  }
0x70: {  	_ =	shalt  }
0x71: {  	_ =	shalt  }
0x72: {  	_ =	shalt  }
0x73: {  	_ =	shalt  }
0x74: {  	_ =	shalt  }
0x75: {  	_ =	shalt  }
0x76: {  	_ =	shalt  }
0x77: {  	_ =	shalt  }
0x78: {  	_ =	shalt  }
0x79: {  	_ =	shalt  }
0x7a: {  	_ =	shalt  }
0x7b: {  	_ =	shalt  }
0x7c: {  	_ =	shalt  }
0x7d: {  	_ =	shalt  }
0x7e: {  	_ =	shalt  }
0x7f: {  	_ =	shalt  }
0x80: {  	_ =	shalt  }
0x81: {  	_ =	shalt  }
0x82: {  	_ =	shalt  }
0x83: {  	_ =	shalt  }
0x84: {  	_ =	shalt  }
0x85: {  	_ =	shalt  }
0x86: {  	_ =	shalt  }
0x87: {  	_ =	shalt  }
.Lfunc_end0:
.L_simem_size_0:
called_computation.1_lowered:
.L_overlay_start_0:
0x88: {  	s2 =	sld [smem:$0x3FD9]  }
0x89: {  	s3 =	sld [smem:$0x3FFE];
	_ =	sdelay $0x1  }
0x8a: {  	s1 =	srdreg.scid  }
0x8b: {  	s0 =	sand.u32 $0x1, s1  }
0x8c: {  	s14 =	sshll.u32 s0, $0xA;
	s2 =	sadd.s32 s3, s2  }
0x8d: {  	s2 =	sadd.s32 s2, s14  }
0x8e: {  	[smem:$0x3FC0] =	sst s2  }
0x8f: {  	_ = 	snop  }
0x90: {  	s2 =	sld [smem:$0x3FD0];
	_ =	sdelay $0x2  }
0x91: {  	s15 =	simm.s32 $0xA;
	s4 =	simm.s32 $0x10  }
0x92: {  	[smem:s4], [sflag:s15] =	dma.local [hbm:s2], $0x1  }
0x93: {  	_ =	swait.eq [sflag:s15], $0x1  }
0x94: {  	[sflag:s15] =	ssyncset.done $0x0  }
0x95: {  	[sflag:s15] =	ssyncadd.s32 $0xFFFFFFFF  }
0x96: {  	s16 =	sld [smem:$0x11];
	(tm) =	ssettm $0x1  }
0x97: {  	s17 =	sld [smem:$0x3FFB];
	_ =	sdelay $0x3  }
0x98: {  	_ =	strace s17  }
0x99: {  	s3 =	sld [smem:$0x3FFC];
	_ =	sdelay $0x3  }
0x9a: {  	_ =	strace s3  }
0x9b: {  	s3 =	sld [smem:$0x3FFD];
	_ =	sdelay $0x3  }
0x9c: {  	_ =	strace s3  }
0x9d: {  	_ =	strace $0x8FFFFFFF  }
0x9e: {  	s18 =	sld [smem:$0x3FDB];
	_ =	sdelay $0x1  }
0x9f: {  	s19 =	simm.s32 $_scs_section_size  }
0xa0: {  	s5 =	simm.s32 $_size__tile_overlayer_lowered;
	s6 =	simm.s32 $_tile_overlayer_lowered  }
0xa1: {  	s22 =	simm.s32 $0x1BFF;
	s21 =	sshll.u32 s6, $0x1;
	s3 =	sadd.s32 s19, s18  }
0xa2: {  	s7 =	simm.s32 $0x0;
	s20 =	sshll.u32 s5, $0x1;
	s5 =	sadd.s32 s21, s3  }
0xa3: {  	[timem:s7], [sflag:s22] =	dma.local [hbm:s5], s20  }
0xa4: {  	_ =	swait.ge [sflag:s22], s20  }
0xa5: {  	s4 =	ssub.s32 $0x0, s20;
	[sflag:s22] =	ssyncset.done $0x0  }
0xa6: {  	[sflag:s22] =	ssyncadd.s32 s4;
	_ =	sdelay $0x1  }
0xa7: {  	s23 =	simm.s32 $0x1B8B  }
0xa8: {  	_ =	swait.ge [sflag:s23], $0x1  }
0xa9: {  	[sflag:s23] =	ssyncset.done $0x0  }
0xaa: {  	s25 =	simm.s32 $0x1B8E;
	s24 =	sld [smem:$0x3FFE];
	[sflag:s23] =	ssyncadd.s32 $0xFFFFFFFF  }
0xab: {  	s26 =	simm.s32 $execute0_lowered;
	[smem:$0x3FD2] =	sst s25  }
0xac: {  	s5 =	sshll.u32 s26, $0x1;
	_ =	strace $0x80000049;
	[dreg:$0x1] =	wrdreg $0xFFFFFFFF  }
0xad: {  	s28 =	simm.s32 $_size_execute0_lowered;
	s3 =	sadd.s32 s3, s5;
	[dreg:$0x0] =	wrdreg $0x0  }
0xae: {  	s5 =	sshll.u32 s28, $0x1;
	[dreg:$0x2] =	wrdreg s3  }
0xaf: {  	[dreg:$0x3] =	wrdreg s5  }
0xb0: {  	[dreg:$0x4] =	wrdreg $0xC0  }
0xb1: {  	_ =	task [dreg:s7], $0x5FFFF  }
0xb2: {  	[dreg:$0x1] =	wrdreg $0xFFFFFFFF  }
0xb3: {  	[dreg:$0x0] =	wrdreg $0x60  }
0xb4: {  	[dreg:$0x2] =	wrdreg s24  }
0xb5: {  	[dreg:$0x3] =	wrdreg s16  }
0xb6: {  	[dreg:$0x4] =	wrdreg $0x82000  }
0xb7: {  	[dreg:$0x5] =	wrdreg $0x9  }
0xb8: {  	_ =	task.clear_ibuf [dreg:s7], $0x6FFFF;
	_ =	strace $0x90000049  }
0xb9: {  	s29 =	simm.s32 $0x9;
	_ =	strace $0x8000004B  }
0xba: {  	_ =	swait.ge [sflag:s29], $0x1  }
0xbb: {  	[sflag:s29] =	ssyncadd.s32 $0xFFFFFFFF  }
0xbc: {  	_ =	strace $0x9000004B  }
0xbd: {  	_ =	sfence  }
0xbe: {  	s30 =	sld [smem:$0x0];
	_ =	sdelay $0x2  }
0xbf: {  	s31 =	sshll.u32 s1, $0xD;
	s1 =	sshrl.u32 s1, $0x2  }
0xc0: {  	s3 =	sand.u32 $0x4000, s31;
	s1 =	sadd.s32 s1, s30  }
0xc1: {  	s0 =	sor.u32 s3, s0;
	s1 =	sshll.u32 s1, $0x11  }
0xc2: {  	s0 =	sor.u32 s1, s0  }
0xc3: {  	s0 =	sadd.s32 $0x8F2B, s0  }
0xc4: {  	[sflag:s0] =	ssyncadd.remote.s32 $0x1  }
0xc5: {  	_ =	sfence.sel $0xFFFF  }
0xc6: {  	[dreg:$0x0] =	wrdreg $0xFFFFFFFF;
	(pc) =	sbr.abs _section_cstart, $3  }
0xc7: {  	[dreg:$0x1] =	wrdreg $0xFFFFFFFF  }
0xc8: {  	_ =	task.clear_ibuf [dreg:s7], $0x2FFFF;
	_ =	strace $0x9FFFFFFF  }
0xc9: {  	(tm) =	ssettm $0x7FFFFFFF  }
tec
execute0_lowered:
.L_overlay_start_1:
0x0: {  	(tag) =	ssettag $0x1  }
0x1: {  	s7 =	rddreg [dreg:$0x0];
	s1 =	srdreg.scid  }
0x2: {  	s0 =	stileid.u32;
	s2 =	rddreg [dreg:$0x1]  }
0x3: {  	s3 =	rddreg [dreg:$0x2];
	s4 =	simm.s32 $0x0;
	s13 =	simm.s32 $0x180  }
0x4: {  	s14 =	simm.s32 $0x2;
	s15 =	simm.s32 $0x80;
	s16 =	simm.s32 $0x4200  }
0x5: {  	s17 =	simm.s32 $0x100;
	s18 =	simm.s32 $0x5;
	s19 =	simm.s32 $0x1  }
0x6: {  	s20 =	simm.s32 $0x200;
	s21 =	simm.s32 $0x3;
	s8 =	smul.u32 $0x5000, s0  }
0x7: {  	s22 =	simm.s32 $0x4;
	s23 =	simm.s32 $0x0;
	s11 =	smul.u32 $0x13C00, s0  }
0x8: {  	s6 =	sand.u32 $0x1, s1;
	s1 =	rddreg [dreg:$0x3];
	s26 =	smul.u32 $0x4F000, s0  }
0x9: {  	[smem:$0x7FF] =	sst s4;
	s5 =	sadd.s32 $0x17800, s7;
	s9 =	smul.u32 $0x2800, s6  }
0xa: {  	s31 =	sshll.u32 s0, $0x6;
	s10 =	smul.u32 $0x13C000, s6;
	s6 =	ssub.s32 $0x2, s6  }
0xb: {  	_ =	strace $0x8000004A;
	s30 =	sshrl.u32 s6, $0x1;
	s8 =	sadd.s32 s9, s8  }
0xc: {  	s25 =	sadd.s32 s11, s10;
	s10 =	sshrl.u32 s26, $0x2;
	s9 =	ssub.s32 s6, s30  }
0xd: {  	s6 =	sor.u32 $0x1C06, s31;
	s8 =	sshrl.u32 s8, $0x2;
	s29 =	sshrl.u32 s25, $0x3  }
0xe: {  	s12 =	sadd.s32 s10, s3;
	s9 =	smax.u32 s9, $0x1;
	s28 =	sadd.s32 s8, s7  }
0xf: {  	s8 =	sadd.s32 s29, s7;
	s7 =	sadd.s32 $0x177F0, s7;
	s11 =	sshrl.u32 s12, $0x3  }
0x10: {  	s12 =	simm.s32 $0x6;
	s8 =	sadd.s32 $0x3EA00, s8;
	s10 =	sadd.s32 $0x3800, s28  }
.LBB2_1:
0x11: {  	[spmem:s11], [sflag:s6] =	dma.local [hbm:s2], $0x2780  }
0x12: {  	_ =	swait.ge [sflag:s12], $0x2780  }
0x13: {  	[sflag:s12] =	ssyncset.done $0x0  }
0x14: {  	[sflag:s12] =	ssyncadd.s32 $0xFFFFD880  }
0x15: {  	[bflag:$0x0] =	sbarrier.arrive $0xFFFF  }
0x16: {  	[tilespmem:s13], [sflag:$0x2] =	stream.linear.gather [hbm4b:s7+s4], $0x80, $0x38;
	[tilespmem:$0x1BE00] =	vst v63  }
0x17: {  	_ =	swait.ge [sflag:s14], $0x80  }
0x18: {  	[sflag:s14] =	ssyncset.done $0x0  }
0x19: {  	[sflag:s14] =	ssyncadd.s32 $0xFFFFFF80  }
0x1a: {  	[spmem:s3] =	stream.indirect.scatter.add.f32 [tilespmem:s16], [sflag:$0x5], $0x80, s13, s15, $0xb8;
	[tilespmem:$0x1BE00] =	vst v63  }
0x1b: {  	s24 =	sadd.s32 $0x0, s10  }
0x1c: {  	[tilespmem:s4], [sflag:$0x1] =	stream.linear.gather [hbm4b:s24+s4], $0x80, $0x38;
	[tilespmem:$0x1BE00] =	vst v63  }
0x1d: {  	s25 =	sadd.s32 $0x10, s24  }
0x1e: {  	[tilespmem:s17], [sflag:$0x1] =	stream.linear.gather [hbm4b:s25+s4], $0x80, $0x38;
	[tilespmem:$0x1BE00] =	vst v63  }
0x1f: {  	_ =	swait.ge [sflag:s18], $0x4000  }
0x20: {  	[sflag:s18] =	ssyncset.done $0x0  }
0x21: {  	s31 =	sadd.s32 $0x20, s24;
	[sflag:s18] =	ssyncadd.s32 $0xFFFFC000  }
0x22: {  	[tilespmem:s15], [sflag:$0x2] =	stream.linear.gather [hbm4b:s31+s4], $0x80, $0x38;
	[tilespmem:$0x1BE00] =	vst v63  }
0x23: {  	s24 =	sadd.s32 $0x30, s24  }
0x24: {  	[tilespmem:s13], [sflag:$0x2] =	stream.linear.gather [hbm4b:s24+s4], $0x80, $0x38;
	[tilespmem:$0x1BE00] =	vst v63  }
0x25: {  	_ =	swait.ge [sflag:s19], $0x80  }
0x26: {  	[sflag:s19] =	ssyncset.done $0x0  }
0x27: {  	[sflag:s19] =	ssyncadd.s32 $0xFFFFFF80  }
0x28: {  	_ =	swait.ge [sflag:s19], $0x80  }
0x29: {  	[sflag:s19] =	ssyncset.done $0x0  }
0x2a: {  	[sflag:s19] =	ssyncadd.s32 $0xFFFFFF80  }
0x2b: {  	[tilespmem:s20], [sflag:$0x3] =	stream.indirect.gather [hbm4b:s5+s15], $0x80, s4, s15, $0xb8;
	[tilespmem:$0x1BE00] =	vst v63  }
0x2c: {  	_ =	swait.ge [sflag:s14], $0x80  }
0x2d: {  	[sflag:s14] =	ssyncset.done $0x0  }
0x2e: {  	[sflag:s14] =	ssyncadd.s32 $0xFFFFFF80  }
0x2f: {  	_ =	swait.ge [sflag:s14], $0x80  }
0x30: {  	[sflag:s14] =	ssyncset.done $0x0  }
0x31: {  	[sflag:s14] =	ssyncadd.s32 $0xFFFFFF80  }
0x32: {  	[tilespmem:s16], [sflag:$0x4] =	stream.indirect.gather [hbm4b:s5+s15], $0x80, s15, s15, $0xb8;
	[tilespmem:$0x1BE00] =	vst v63  }
0x33: {  	_ =	swait.ge [sflag:s21], $0x4000  }
0x34: {  	[sflag:s21] =	ssyncset.done $0x0  }
0x35: {  	[sflag:s21] =	ssyncadd.s32 $0xFFFFC000  }
0x36: {  	[spmem:s3] =	stream.indirect.scatter.add.f32 [tilespmem:s20], [sflag:$0x5], $0x80, s17, s15, $0xb8;
	[tilespmem:$0x1BE00] =	vst v63  }
0x37: {  	_ =	swait.ge [sflag:s22], $0x4000  }
0x38: {  	[sflag:s22] =	ssyncset.done $0x0  }
0x39: {  	[sflag:s22] =	ssyncadd.s32 $0xFFFFC000  }
0x3a: {  	_ =	swait.ge [sflag:s18], $0x4000  }
0x3b: {  	[sflag:s18] =	ssyncset.done $0x0  }
0x3c: {  	s24 =	simm.s32 $0x40;
	[sflag:s18] =	ssyncadd.s32 $0xFFFFC000  }
.LBB2_2:
0x3d: {  	[spmem:s3] =	stream.indirect.scatter.add.f32 [tilespmem:s16], [sflag:$0x5], $0x80, s13, s15, $0xb8;
	[tilespmem:$0x1BE00] =	vst v63  }
0x3e: {  	s25 =	sadd.s32 s24, s10;
	p0 =	sne.s32 s24, $0x9C0;
	s24 =	sadd.s32 $0x40, s24  }
0x3f: {  	[tilespmem:s4], [sflag:$0x1] =	stream.linear.gather [hbm4b:s25+s4], $0x80, $0x38;
	[tilespmem:$0x1BE00] =	vst v63  }
0x40: {  	s26 =	sadd.s32 $0x10, s25  }
0x41: {  	[tilespmem:s17], [sflag:$0x1] =	stream.linear.gather [hbm4b:s26+s4], $0x80, $0x38;
	[tilespmem:$0x1BE00] =	vst v63  }
0x42: {  	_ =	swait.ge [sflag:s18], $0x4000  }
0x43: {  	[sflag:s18] =	ssyncset.done $0x0  }
0x44: {  	s26 =	sadd.s32 $0x20, s25;
	[sflag:s18] =	ssyncadd.s32 $0xFFFFC000  }
0x45: {  	[tilespmem:s15], [sflag:$0x2] =	stream.linear.gather [hbm4b:s26+s4], $0x80, $0x38;
	[tilespmem:$0x1BE00] =	vst v63  }
0x46: {  	s25 =	sadd.s32 $0x30, s25  }
0x47: {  	[tilespmem:s13], [sflag:$0x2] =	stream.linear.gather [hbm4b:s25+s4], $0x80, $0x38;
	[tilespmem:$0x1BE00] =	vst v63  }
0x48: {  	_ =	swait.ge [sflag:s19], $0x80  }
0x49: {  	[sflag:s19] =	ssyncset.done $0x0  }
0x4a: {  	[sflag:s19] =	ssyncadd.s32 $0xFFFFFF80  }
0x4b: {  	_ =	swait.ge [sflag:s19], $0x80  }
0x4c: {  	[sflag:s19] =	ssyncset.done $0x0  }
0x4d: {  	[sflag:s19] =	ssyncadd.s32 $0xFFFFFF80  }
0x4e: {  	[tilespmem:s20], [sflag:$0x3] =	stream.indirect.gather [hbm4b:s5+s15], $0x80, s4, s15, $0xb8;
	[tilespmem:$0x1BE00] =	vst v63  }
0x4f: {  	_ =	swait.ge [sflag:s14], $0x80  }
0x50: {  	[sflag:s14] =	ssyncset.done $0x0  }
0x51: {  	[sflag:s14] =	ssyncadd.s32 $0xFFFFFF80  }
0x52: {  	_ =	swait.ge [sflag:s14], $0x80  }
0x53: {  	[sflag:s14] =	ssyncset.done $0x0  }
0x54: {  	[sflag:s14] =	ssyncadd.s32 $0xFFFFFF80  }
0x55: {  	[tilespmem:s16], [sflag:$0x4] =	stream.indirect.gather [hbm4b:s5+s15], $0x80, s15, s15, $0xb8;
	[tilespmem:$0x1BE00] =	vst v63  }
0x56: {  	_ =	swait.ge [sflag:s21], $0x4000  }
0x57: {  	[sflag:s21] =	ssyncset.done $0x0  }
0x58: {  	[sflag:s21] =	ssyncadd.s32 $0xFFFFC000  }
0x59: {  	[spmem:s3] =	stream.indirect.scatter.add.f32 [tilespmem:s20], [sflag:$0x5], $0x80, s17, s15, $0xb8;
	[tilespmem:$0x1BE00] =	vst v63  }
0x5a: {  	_ =	swait.ge [sflag:s22], $0x4000  }
.Ltmp0:
0x5b: {  	[sflag:s22] =	ssyncset.done $0x0;
	(pc) =	sbr.rel @p0 .LBB2_2-.Ltmp0, $4  }
0x5c: {  	[sflag:s22] =	ssyncadd.s32 $0xFFFFC000  }
0x5d: {  	_ =	swait.ge [sflag:s18], $0x4000  }
0x5e: {  	[sflag:s18] =	ssyncset.done $0x0  }
0x5f: {  	[sflag:s18] =	ssyncadd.s32 $0xFFFFC000  }
0x60: {  	[spmem:s3] =	stream.indirect.scatter.add.f32 [tilespmem:s16], [sflag:$0x5], $0x80, s13, s15, $0xb8;
	[tilespmem:$0x1BE00] =	vst v63  }
0x61: {  	_ =	swait.ge [sflag:s18], $0x4000  }
0x62: {  	s23 =	sadd.s32 $0x1, s23;
	[sflag:s18] =	ssyncset.done $0x0  }
0x63: {  	p0 =	sne.s32 s23, s9;
	[sflag:s18] =	ssyncadd.s32 $0xFFFFC000  }
.Ltmp1:
0x64: {  	[bflag:$0x0] =	sbarrier.arrive $0xFFFF;
	(pc) =	sbr.rel @p0 .LBB2_1-.Ltmp1, $4  }
0x65: {  	[hbm:s8], [sflag:s6] =	dma.local [spmem:s11], $0x2780  }
0x66: {  	_ =	swait.ge [sflag:s12], $0x2780  }
0x67: {  	[sflag:s12] =	ssyncset.done $0x0  }
0x68: {  	[sflag:s12] =	ssyncadd.s32 $0xFFFFD880  }
0x69: {  	_ =	sfence.sel $0x180000  }
0x6a: {  	[bflag:$0x0] =	sbarrier.arrive $0xFFFF  }
0x6b: {  	p0 =	sne.s32 s0, $0x0;
	_ =	strace $0x9000004A  }
0x6c: {  	s0 =	sadd.s32 @!p0 $0x100000, s1;
	[bflag:$0x2] =	sbarrier.arrive $0xFFFF  }
0x6d: {  	[sflag:s0] =	ssyncadd.tile.s32 @!p0 $0x1;
	_ =	shalt  }
.Lfunc_end2:
_tile_overlayer_lowered:
.L_overlay_start_2:
0x6e: {  	(tag) =	ssettag $0x2  }
0x6f: {  	s0 =	rddreg [dreg:$0x0];
	s2 =	stileid.u32  }
0x70: {  	s1 =	rddreg [dreg:$0x1];
	p0 =	sne.s32 s2, $0x0  }
0x71: {  	s3 =	rddreg [dreg:$0x2];
	[bflag:$0x3] =	sbarrier.arrive $0xFFFF;
	s2 =	simm.s32 @!p0 $0x1C06  }
0x72: {  	[timem:s3], [sflag:s2] =	dma.local @!p0 [hbm:s0], s1  }
0x73: {  	s0 =	simm.s32 @!p0 $0x6  }
0x74: {  	_ =	swait.ge @!p0 [sflag:s0], s1  }
0x75: {  	s1 =	ssub.s32 @!p0 $0x0, s1;
	[sflag:s0] =	ssyncset.done @!p0 $0x0  }
0x76: {  	[sflag:s0] =	ssyncadd.s32 @!p0 s1  }
0x77: {  	[bflag:$0x3] =	sbarrier.arrive $0xFFFF  }
0x78: {  	_ =	shalt  }

// kernel: kernel.14.cloned.1.call-start
scs
__scs_entry_jumppad:
0x0: {  	(pc) =	sbr.rel $0x88, $3  }
0x1: {  	(tag) =	ssettag $0x0;
	lr =	simm.s32 $0x1  }
0x2: {  	[smem:$0x3F99] =	sst lr;
	_ =	strace $0xD0000000  }
0x3: {  	_ = 	snop  }
0x4: {  	_ = 	snop  }
0x5: {  	_ = 	snop  }
0x6: {  	_ = 	snop  }
0x7: {  	_ = 	snop  }
__scs_overlays_trampoline_lowered:
0x8: {  	[smem:$0x3FA8] =	sst s0  }
0x9: {  	[smem:$0x3FA9] =	sst s1  }
0xa: {  	[smem:$0x3FAA] =	sst s2  }
0xb: {  	[smem:$0x3FAB] =	sst s3  }
0xc: {  	[smem:$0x3FAC] =	sst s4  }
0xd: {  	[smem:$0x3FAD] =	sst s5  }
0xe: {  	[smem:$0x3FAE] =	sst s6  }
0xf: {  	[smem:$0x3FAF] =	sst s7  }
0x10: {  	[smem:$0x3FB0] =	sst s8  }
0x11: {  	[smem:$0x3FB1] =	sst s9;
	s0 =	simm.s32 @!p0 $0x0  }
0x12: {  	s1 =	sld [smem:$0x3F97];
	s0 =	simm.s32 @p0 $0x1  }
0x13: {  	[smem:$0x3FB2] =	sst s0;
	s0 =	simm.s32 @!p1 $0x0  }
0x14: {  	s2 =	sld [smem:$0x3F96];
	s0 =	simm.s32 @p1 $0x1  }
0x15: {  	[smem:$0x3FB3] =	sst s0;
	s0 =	simm.s32 @!p2 $0x0  }
0x16: {  	s3 =	sld [smem:$0x3FDB];
	s0 =	simm.s32 @p2 $0x1  }
0x17: {  	s4 =	simm.s32 $0x1BF5;
	[smem:$0x3FB5] =	sst s0  }
0x18: {  	s0 =	sld [smem:$0x3F98];
	_ =	swait.ge [sflag:s4], $0x0  }
0x19: {  	s7 =	sld [smem:$0x3F99]  }
0x1a: {  	s8 =	sadd.s32 $0xFFFFE003, lr  }
0x1b: {  	s9 =	sadd.s32 $0xFFFFFEF7, lr;
	s5 =	simm.s32 $0xFFFFFFFF;
	p2 =	slt.u32 s8, $0xFFFFF086  }
0x1c: {  	p1 =	slt.u32 s9, $0xF7A;
	s5 =	simm.s32 @!p2 $0x0  }
0x1d: {  	s5 =	simm.s32 @p1 $0x1;
	p0 =	seq.s32 s7, s2  }
0x1e: {  	s7 =	smul.u32 @!p0 $0xF7A, s2;
	p2 =	seq.s32 @!p0 s5, $0x0  }
0x1f: {  	s9 =	smul.u32 $0xF7A, s1;
	s8 =	simm.s32 @!p0 $0x1BF5;
	p2 =	por !p2, p0  }
0x20: {  	[sflag:s8] =	ssyncset.s32 @!p0 $0xFFFFF086;
	s6 =	sadd.s32 @!p0 s3, s7;
	s7 =	simm.s32 @!p0 $0x108  }
0x21: {  	s3 =	sadd.s32 s3, s9;
	s6 =	sadd.s32 @!p0 $0x88, s6;
	s7 =	simm.s32 @p2 $0x1082  }
0x22: {  	[simem:s7], [sflag:s8] =	dma.local @!p0 [hbm:s6], $0xF7A  }
0x23: {  	s9 =	sor.u32 $0xD0000000, s2;
	s6 =	simm.s32 $0x108;
	_ =	swait.ge @!p0 [sflag:s8], $0x0  }
0x24: {  	s3 =	sadd.s32 $0x88, s3;
	s6 =	simm.s32 @!p1 $0x1082;
	[sflag:s4] =	ssyncset.s32 $0xFFFFF086  }
0x25: {  	[simem:s6], [sflag:s4] =	dma.local [hbm:s3], $0xF7A  }
0x26: {  	[smem:$0x3F99] =	sst s1;
	(tag) =	ssettag s2;
	_ =	strace s9  }
0x27: {  	s1 =	sld [smem:$0x3FA9]  }
0x28: {  	s2 =	sld [smem:$0x3FAA]  }
0x29: {  	s4 =	sld [smem:$0x3FAC]  }
0x2a: {  	p0 =	seq.s32 s5, $0x0;
	s5 =	sld [smem:$0x3FAD]  }
0x2b: {  	s6 =	sld [smem:$0x3FAE]  }
0x2c: {  	s7 =	sld [smem:$0x3FAF]  }
0x2d: {  	s3 =	simm.s32 $0x108;
	s8 =	sld [smem:$0x3FB0]  }
0x2e: {  	s3 =	simm.s32 @!p0 $0x1082;
	s9 =	sld [smem:$0x3FB1]  }
0x2f: {  	lr =	sadd.s32 s0, s3;
	s0 =	sld [smem:$0x3FA8]  }
0x30: {  	s3 =	sld [smem:$0x3FAB]  }
0x31: {  	[smem:$0x3FB4] =	sst s10  }
0x32: {  	s10 =	sld [smem:$0x3FB2];
	_ =	sdelay $0x3  }
0x33: {  	p0 =	seq.s32 s10, $0x1;
	s10 =	sld [smem:$0x3FB4];
	_ =	sdelay $0x3  }
0x34: {  	[smem:$0x3FB4] =	sst s10  }
0x35: {  	s10 =	sld [smem:$0x3FB3];
	_ =	sdelay $0x3  }
0x36: {  	p1 =	seq.s32 s10, $0x1;
	s10 =	sld [smem:$0x3FB4];
	_ =	sdelay $0x3  }
0x37: {  	[smem:$0x3FB4] =	sst s10  }
0x38: {  	s10 =	sld [smem:$0x3FB5]  }
0x39: {  	_ = 	snop;
	(pc) =	sbr.ind lr, $3  }
0x3a: {  	_ = 	snop  }
0x3b: {  	_ = 	snop  }
0x3c: {  	p2 =	seq.s32 s10, $0x1;
	s10 =	sld [smem:$0x3FB4]  }
0x3d: {  	_ =	shalt  }
0x3e: {  	_ =	shalt  }
0x3f: {  	_ =	shalt  }
0x40: {  	_ =	shalt  }
0x41: {  	_ =	shalt  }
0x42: {  	_ =	shalt  }
0x43: {  	_ =	shalt  }
0x44: {  	_ =	shalt  }
0x45: {  	_ =	shalt  }
0x46: {  	_ =	shalt  }
0x47: {  	_ =	shalt  }
0x48: {  	_ =	shalt  }
0x49: {  	_ =	shalt  }
0x4a: {  	_ =	shalt  }
0x4b: {  	_ =	shalt  }
0x4c: {  	_ =	shalt  }
0x4d: {  	_ =	shalt  }
0x4e: {  	_ =	shalt  }
0x4f: {  	_ =	shalt  }
0x50: {  	_ =	shalt  }
0x51: {  	_ =	shalt  }
0x52: {  	_ =	shalt  }
0x53: {  	_ =	shalt  }
0x54: {  	_ =	shalt  }
0x55: {  	_ =	shalt  }
0x56: {  	_ =	shalt  }
0x57: {  	_ =	shalt  }
0x58: {  	_ =	shalt  }
0x59: {  	_ =	shalt  }
0x5a: {  	_ =	shalt  }
0x5b: {  	_ =	shalt  }
0x5c: {  	_ =	shalt  }
0x5d: {  	_ =	shalt  }
0x5e: {  	_ =	shalt  }
0x5f: {  	_ =	shalt  }
0x60: {  	_ =	shalt  }
0x61: {  	_ =	shalt  }
0x62: {  	_ =	shalt  }
0x63: {  	_ =	shalt  }
0x64: {  	_ =	shalt  }
0x65: {  	_ =	shalt  }
0x66: {  	_ =	shalt  }
0x67: {  	_ =	shalt  }
0x68: {  	_ =	shalt  }
0x69: {  	_ =	shalt  }
0x6a: {  	_ =	shalt  }
0x6b: {  	_ =	shalt  }
0x6c: {  	_ =	shalt  }
0x6d: {  	_ =	shalt  }
0x6e: {  	_ =	shalt  }
0x6f: {  	_ =	shalt  }
0x70: {  	_ =	shalt  }
0x71: {  	_ =	shalt  }
0x72: {  	_ =	shalt  }
0x73: {  	_ =	shalt  }
0x74: {  	_ =	shalt  }
0x75: {  	_ =	shalt  }
0x76: {  	_ =	shalt  }
0x77: {  	_ =	shalt  }
0x78: {  	_ =	shalt  }
0x79: {  	_ =	shalt  }
0x7a: {  	_ =	shalt  }
0x7b: {  	_ =	shalt  }
0x7c: {  	_ =	shalt  }
0x7d: {  	_ =	shalt  }
0x7e: {  	_ =	shalt  }
0x7f: {  	_ =	shalt  }
0x80: {  	_ =	shalt  }
0x81: {  	_ =	shalt  }
0x82: {  	_ =	shalt  }
0x83: {  	_ =	shalt  }
0x84: {  	_ =	shalt  }
0x85: {  	_ =	shalt  }
0x86: {  	_ =	shalt  }
0x87: {  	_ =	shalt  }
.Lfunc_end0:
.L_simem_size_0:
called_computation.2_lowered:
.L_overlay_start_0:
0x88: {  	s2 =	sld [smem:$0x3FD9]  }
0x89: {  	s3 =	sld [smem:$0x3FFE];
	_ =	sdelay $0x1  }
0x8a: {  	s1 =	srdreg.scid  }
0x8b: {  	s0 =	sand.u32 $0x1, s1  }
0x8c: {  	s14 =	sshll.u32 s0, $0xA;
	s2 =	sadd.s32 s3, s2  }
0x8d: {  	s2 =	sadd.s32 s2, s14  }
0x8e: {  	[smem:$0x3FC0] =	sst s2  }
0x8f: {  	_ = 	snop  }
0x90: {  	s2 =	sld [smem:$0x3FD0];
	_ =	sdelay $0x2  }
0x91: {  	s15 =	simm.s32 $0xA;
	s4 =	simm.s32 $0x10  }
0x92: {  	[smem:s4], [sflag:s15] =	dma.local [hbm:s2], $0x1  }
0x93: {  	_ =	swait.eq [sflag:s15], $0x1  }
0x94: {  	[sflag:s15] =	ssyncset.done $0x0  }
0x95: {  	[sflag:s15] =	ssyncadd.s32 $0xFFFFFFFF  }
0x96: {  	s16 =	sld [smem:$0x11];
	(tm) =	ssettm $0x1  }
0x97: {  	s17 =	sld [smem:$0x3FFB];
	_ =	sdelay $0x3  }
0x98: {  	_ =	strace s17  }
0x99: {  	s3 =	sld [smem:$0x3FFC];
	_ =	sdelay $0x3  }
0x9a: {  	_ =	strace s3  }
0x9b: {  	s3 =	sld [smem:$0x3FFD];
	_ =	sdelay $0x3  }
0x9c: {  	_ =	strace s3  }
0x9d: {  	_ =	strace $0x8FFFFFFF  }
0x9e: {  	s18 =	sld [smem:$0x3FDB];
	_ =	sdelay $0x1  }
0x9f: {  	s19 =	simm.s32 $_scs_section_size  }
0xa0: {  	s5 =	simm.s32 $_size__tile_overlayer_lowered;
	s6 =	simm.s32 $_tile_overlayer_lowered  }
0xa1: {  	s22 =	simm.s32 $0x1BFF;
	s21 =	sshll.u32 s6, $0x1;
	s3 =	sadd.s32 s19, s18  }
0xa2: {  	s7 =	simm.s32 $0x0;
	s20 =	sshll.u32 s5, $0x1;
	s5 =	sadd.s32 s21, s3  }
0xa3: {  	[timem:s7], [sflag:s22] =	dma.local [hbm:s5], s20  }
0xa4: {  	_ =	swait.ge [sflag:s22], s20  }
0xa5: {  	s4 =	ssub.s32 $0x0, s20;
	[sflag:s22] =	ssyncset.done $0x0  }
0xa6: {  	[sflag:s22] =	ssyncadd.s32 s4;
	_ =	sdelay $0x1  }
0xa7: {  	s23 =	simm.s32 $0x1B8B  }
0xa8: {  	_ =	swait.ge [sflag:s23], $0x1  }
0xa9: {  	[sflag:s23] =	ssyncset.done $0x0  }
0xaa: {  	s25 =	simm.s32 $0x1B8E;
	s24 =	sld [smem:$0x3FFE];
	[sflag:s23] =	ssyncadd.s32 $0xFFFFFFFF  }
0xab: {  	s26 =	simm.s32 $execute0_lowered;
	[smem:$0x3FD2] =	sst s25  }
0xac: {  	s5 =	sshll.u32 s26, $0x1;
	_ =	strace $0x8000004C;
	[dreg:$0x1] =	wrdreg $0xFFFFFFFF  }
0xad: {  	s28 =	simm.s32 $_size_execute0_lowered;
	s3 =	sadd.s32 s3, s5;
	[dreg:$0x0] =	wrdreg $0x0  }
0xae: {  	s5 =	sshll.u32 s28, $0x1;
	[dreg:$0x2] =	wrdreg s3  }
0xaf: {  	[dreg:$0x3] =	wrdreg s5  }
0xb0: {  	[dreg:$0x4] =	wrdreg $0xC0  }
0xb1: {  	_ =	task [dreg:s7], $0x5FFFF  }
0xb2: {  	[dreg:$0x1] =	wrdreg $0xFFFFFFFF  }
0xb3: {  	[dreg:$0x0] =	wrdreg $0x60  }
0xb4: {  	[dreg:$0x2] =	wrdreg s24  }
0xb5: {  	[dreg:$0x3] =	wrdreg s16  }
0xb6: {  	[dreg:$0x4] =	wrdreg $0x82000  }
0xb7: {  	[dreg:$0x5] =	wrdreg $0x9  }
0xb8: {  	_ =	task.clear_ibuf [dreg:s7], $0x6FFFF;
	_ =	strace $0x9000004C  }
0xb9: {  	s29 =	simm.s32 $0x9;
	_ =	strace $0x8000004E  }
0xba: {  	_ =	swait.ge [sflag:s29], $0x1  }
0xbb: {  	[sflag:s29] =	ssyncadd.s32 $0xFFFFFFFF  }
0xbc: {  	_ =	strace $0x9000004E  }
0xbd: {  	_ =	sfence  }
0xbe: {  	s30 =	sld [smem:$0x0];
	_ =	sdelay $0x2  }
0xbf: {  	s31 =	sshll.u32 s1, $0xD;
	s1 =	sshrl.u32 s1, $0x2  }
0xc0: {  	s3 =	sand.u32 $0x4000, s31;
	s1 =	sadd.s32 s1, s30  }
0xc1: {  	s0 =	sor.u32 s3, s0;
	s1 =	sshll.u32 s1, $0x11  }
0xc2: {  	s0 =	sor.u32 s1, s0  }
0xc3: {  	s0 =	sadd.s32 $0x8F2B, s0  }
0xc4: {  	[sflag:s0] =	ssyncadd.remote.s32 $0x1  }
0xc5: {  	_ =	sfence.sel $0xFFFF  }
0xc6: {  	[dreg:$0x0] =	wrdreg $0xFFFFFFFF;
	(pc) =	sbr.abs _section_cstart, $3  }
0xc7: {  	[dreg:$0x1] =	wrdreg $0xFFFFFFFF  }
0xc8: {  	_ =	task.clear_ibuf [dreg:s7], $0x2FFFF;
	_ =	strace $0x9FFFFFFF  }
0xc9: {  	(tm) =	ssettm $0x7FFFFFFF  }
tec
execute0_lowered:
.L_overlay_start_1:
0x0: {  	(tag) =	ssettag $0x1  }
0x1: {  	s7 =	rddreg [dreg:$0x0];
	s1 =	srdreg.scid  }
0x2: {  	s0 =	stileid.u32;
	s2 =	rddreg [dreg:$0x1]  }
0x3: {  	s3 =	rddreg [dreg:$0x2];
	s4 =	simm.s32 $0x0;
	s13 =	simm.s32 $0x180  }
0x4: {  	s14 =	simm.s32 $0x2;
	s15 =	simm.s32 $0x80;
	s16 =	simm.s32 $0x4200  }
0x5: {  	s17 =	simm.s32 $0x100;
	s18 =	simm.s32 $0x5;
	s19 =	simm.s32 $0x1  }
0x6: {  	s20 =	simm.s32 $0x200;
	s21 =	simm.s32 $0x3;
	s8 =	smul.u32 $0x5000, s0  }
0x7: {  	s22 =	simm.s32 $0x4;
	s23 =	simm.s32 $0x0;
	s11 =	smul.u32 $0x13C00, s0  }
0x8: {  	s6 =	sand.u32 $0x1, s1;
	s1 =	rddreg [dreg:$0x3];
	s26 =	smul.u32 $0x4F000, s0  }
0x9: {  	[smem:$0x7FF] =	sst s4;
	s5 =	sadd.s32 $0x17800, s7;
	s9 =	smul.u32 $0x2800, s6  }
0xa: {  	s31 =	sshll.u32 s0, $0x6;
	s10 =	smul.u32 $0x13C000, s6;
	s6 =	ssub.s32 $0x2, s6  }
0xb: {  	_ =	strace $0x8000004D;
	s30 =	sshrl.u32 s6, $0x1;
	s8 =	sadd.s32 s9, s8  }
0xc: {  	s25 =	sadd.s32 s11, s10;
	s10 =	sshrl.u32 s26, $0x2;
	s9 =	ssub.s32 s6, s30  }
0xd: {  	s6 =	sor.u32 $0x1C06, s31;
	s8 =	sshrl.u32 s8, $0x2;
	s29 =	sshrl.u32 s25, $0x3  }
0xe: {  	s12 =	sadd.s32 s10, s3;
	s9 =	smax.u32 s9, $0x1;
	s28 =	sadd.s32 s8, s7  }
0xf: {  	s8 =	sadd.s32 s29, s7;
	s7 =	sadd.s32 $0x177F0, s7;
	s11 =	sshrl.u32 s12, $0x3  }
0x10: {  	s12 =	simm.s32 $0x6;
	s8 =	sadd.s32 $0x3EA00, s8;
	s10 =	sadd.s32 $0x3800, s28  }
.LBB2_1:
0x11: {  	[spmem:s11], [sflag:s6] =	dma.local [hbm:s2], $0x2780  }
0x12: {  	_ =	swait.ge [sflag:s12], $0x2780  }
0x13: {  	[sflag:s12] =	ssyncset.done $0x0  }
0x14: {  	[sflag:s12] =	ssyncadd.s32 $0xFFFFD880  }
0x15: {  	[bflag:$0x0] =	sbarrier.arrive $0xFFFF  }
0x16: {  	[tilespmem:s13], [sflag:$0x2] =	stream.linear.gather [hbm4b:s7+s4], $0x80, $0x38;
	[tilespmem:$0x1BE00] =	vst v63  }
0x17: {  	_ =	swait.ge [sflag:s14], $0x80  }
0x18: {  	[sflag:s14] =	ssyncset.done $0x0  }
0x19: {  	[sflag:s14] =	ssyncadd.s32 $0xFFFFFF80  }
0x1a: {  	[spmem:s3] =	stream.indirect.scatter.add.f32 [tilespmem:s16], [sflag:$0x5], $0x80, s13, s15, $0xb8;
	[tilespmem:$0x1BE00] =	vst v63  }
0x1b: {  	s24 =	sadd.s32 $0x0, s10  }
0x1c: {  	[tilespmem:s4], [sflag:$0x1] =	stream.linear.gather [hbm4b:s24+s4], $0x80, $0x38;
	[tilespmem:$0x1BE00] =	vst v63  }
0x1d: {  	s25 =	sadd.s32 $0x10, s24  }
0x1e: {  	[tilespmem:s17], [sflag:$0x1] =	stream.linear.gather [hbm4b:s25+s4], $0x80, $0x38;
	[tilespmem:$0x1BE00] =	vst v63  }
0x1f: {  	_ =	swait.ge [sflag:s18], $0x4000  }
0x20: {  	[sflag:s18] =	ssyncset.done $0x0  }
0x21: {  	s31 =	sadd.s32 $0x20, s24;
	[sflag:s18] =	ssyncadd.s32 $0xFFFFC000  }
0x22: {  	[tilespmem:s15], [sflag:$0x2] =	stream.linear.gather [hbm4b:s31+s4], $0x80, $0x38;
	[tilespmem:$0x1BE00] =	vst v63  }
0x23: {  	s24 =	sadd.s32 $0x30, s24  }
0x24: {  	[tilespmem:s13], [sflag:$0x2] =	stream.linear.gather [hbm4b:s24+s4], $0x80, $0x38;
	[tilespmem:$0x1BE00] =	vst v63  }
0x25: {  	_ =	swait.ge [sflag:s19], $0x80  }
0x26: {  	[sflag:s19] =	ssyncset.done $0x0  }
0x27: {  	[sflag:s19] =	ssyncadd.s32 $0xFFFFFF80  }
0x28: {  	_ =	swait.ge [sflag:s19], $0x80  }
0x29: {  	[sflag:s19] =	ssyncset.done $0x0  }
0x2a: {  	[sflag:s19] =	ssyncadd.s32 $0xFFFFFF80  }
0x2b: {  	[tilespmem:s20], [sflag:$0x3] =	stream.indirect.gather [hbm4b:s5+s15], $0x80, s4, s15, $0xb8;
	[tilespmem:$0x1BE00] =	vst v63  }
0x2c: {  	_ =	swait.ge [sflag:s14], $0x80  }
0x2d: {  	[sflag:s14] =	ssyncset.done $0x0  }
0x2e: {  	[sflag:s14] =	ssyncadd.s32 $0xFFFFFF80  }
0x2f: {  	_ =	swait.ge [sflag:s14], $0x80  }
0x30: {  	[sflag:s14] =	ssyncset.done $0x0  }
0x31: {  	[sflag:s14] =	ssyncadd.s32 $0xFFFFFF80  }
0x32: {  	[tilespmem:s16], [sflag:$0x4] =	stream.indirect.gather [hbm4b:s5+s15], $0x80, s15, s15, $0xb8;
	[tilespmem:$0x1BE00] =	vst v63  }
0x33: {  	_ =	swait.ge [sflag:s21], $0x4000  }
0x34: {  	[sflag:s21] =	ssyncset.done $0x0  }
0x35: {  	[sflag:s21] =	ssyncadd.s32 $0xFFFFC000  }
0x36: {  	[spmem:s3] =	stream.indirect.scatter.add.f32 [tilespmem:s20], [sflag:$0x5], $0x80, s17, s15, $0xb8;
	[tilespmem:$0x1BE00] =	vst v63  }
0x37: {  	_ =	swait.ge [sflag:s22], $0x4000  }
0x38: {  	[sflag:s22] =	ssyncset.done $0x0  }
0x39: {  	[sflag:s22] =	ssyncadd.s32 $0xFFFFC000  }
0x3a: {  	_ =	swait.ge [sflag:s18], $0x4000  }
0x3b: {  	[sflag:s18] =	ssyncset.done $0x0  }
0x3c: {  	s24 =	simm.s32 $0x40;
	[sflag:s18] =	ssyncadd.s32 $0xFFFFC000  }
.LBB2_2:
0x3d: {  	[spmem:s3] =	stream.indirect.scatter.add.f32 [tilespmem:s16], [sflag:$0x5], $0x80, s13, s15, $0xb8;
	[tilespmem:$0x1BE00] =	vst v63  }
0x3e: {  	s25 =	sadd.s32 s24, s10;
	p0 =	sne.s32 s24, $0x9C0;
	s24 =	sadd.s32 $0x40, s24  }
0x3f: {  	[tilespmem:s4], [sflag:$0x1] =	stream.linear.gather [hbm4b:s25+s4], $0x80, $0x38;
	[tilespmem:$0x1BE00] =	vst v63  }
0x40: {  	s26 =	sadd.s32 $0x10, s25  }
0x41: {  	[tilespmem:s17], [sflag:$0x1] =	stream.linear.gather [hbm4b:s26+s4], $0x80, $0x38;
	[tilespmem:$0x1BE00] =	vst v63  }
0x42: {  	_ =	swait.ge [sflag:s18], $0x4000  }
0x43: {  	[sflag:s18] =	ssyncset.done $0x0  }
0x44: {  	s26 =	sadd.s32 $0x20, s25;
	[sflag:s18] =	ssyncadd.s32 $0xFFFFC000  }
0x45: {  	[tilespmem:s15], [sflag:$0x2] =	stream.linear.gather [hbm4b:s26+s4], $0x80, $0x38;
	[tilespmem:$0x1BE00] =	vst v63  }
0x46: {  	s25 =	sadd.s32 $0x30, s25  }
0x47: {  	[tilespmem:s13], [sflag:$0x2] =	stream.linear.gather [hbm4b:s25+s4], $0x80, $0x38;
	[tilespmem:$0x1BE00] =	vst v63  }
0x48: {  	_ =	swait.ge [sflag:s19], $0x80  }
0x49: {  	[sflag:s19] =	ssyncset.done $0x0  }
0x4a: {  	[sflag:s19] =	ssyncadd.s32 $0xFFFFFF80  }
0x4b: {  	_ =	swait.ge [sflag:s19], $0x80  }
0x4c: {  	[sflag:s19] =	ssyncset.done $0x0  }
0x4d: {  	[sflag:s19] =	ssyncadd.s32 $0xFFFFFF80  }
0x4e: {  	[tilespmem:s20], [sflag:$0x3] =	stream.indirect.gather [hbm4b:s5+s15], $0x80, s4, s15, $0xb8;
	[tilespmem:$0x1BE00] =	vst v63  }
0x4f: {  	_ =	swait.ge [sflag:s14], $0x80  }
0x50: {  	[sflag:s14] =	ssyncset.done $0x0  }
0x51: {  	[sflag:s14] =	ssyncadd.s32 $0xFFFFFF80  }
0x52: {  	_ =	swait.ge [sflag:s14], $0x80  }
0x53: {  	[sflag:s14] =	ssyncset.done $0x0  }
0x54: {  	[sflag:s14] =	ssyncadd.s32 $0xFFFFFF80  }
0x55: {  	[tilespmem:s16], [sflag:$0x4] =	stream.indirect.gather [hbm4b:s5+s15], $0x80, s15, s15, $0xb8;
	[tilespmem:$0x1BE00] =	vst v63  }
0x56: {  	_ =	swait.ge [sflag:s21], $0x4000  }
0x57: {  	[sflag:s21] =	ssyncset.done $0x0  }
0x58: {  	[sflag:s21] =	ssyncadd.s32 $0xFFFFC000  }
0x59: {  	[spmem:s3] =	stream.indirect.scatter.add.f32 [tilespmem:s20], [sflag:$0x5], $0x80, s17, s15, $0xb8;
	[tilespmem:$0x1BE00] =	vst v63  }
0x5a: {  	_ =	swait.ge [sflag:s22], $0x4000  }
.Ltmp0:
0x5b: {  	[sflag:s22] =	ssyncset.done $0x0;
	(pc) =	sbr.rel @p0 .LBB2_2-.Ltmp0, $4  }
0x5c: {  	[sflag:s22] =	ssyncadd.s32 $0xFFFFC000  }
0x5d: {  	_ =	swait.ge [sflag:s18], $0x4000  }
0x5e: {  	[sflag:s18] =	ssyncset.done $0x0  }
0x5f: {  	[sflag:s18] =	ssyncadd.s32 $0xFFFFC000  }
0x60: {  	[spmem:s3] =	stream.indirect.scatter.add.f32 [tilespmem:s16], [sflag:$0x5], $0x80, s13, s15, $0xb8;
	[tilespmem:$0x1BE00] =	vst v63  }
0x61: {  	_ =	swait.ge [sflag:s18], $0x4000  }
0x62: {  	s23 =	sadd.s32 $0x1, s23;
	[sflag:s18] =	ssyncset.done $0x0  }
0x63: {  	p0 =	sne.s32 s23, s9;
	[sflag:s18] =	ssyncadd.s32 $0xFFFFC000  }
.Ltmp1:
0x64: {  	[bflag:$0x0] =	sbarrier.arrive $0xFFFF;
	(pc) =	sbr.rel @p0 .LBB2_1-.Ltmp1, $4  }
0x65: {  	[hbm:s8], [sflag:s6] =	dma.local [spmem:s11], $0x2780  }
0x66: {  	_ =	swait.ge [sflag:s12], $0x2780  }
0x67: {  	[sflag:s12] =	ssyncset.done $0x0  }
0x68: {  	[sflag:s12] =	ssyncadd.s32 $0xFFFFD880  }
0x69: {  	_ =	sfence.sel $0x180000  }
0x6a: {  	[bflag:$0x0] =	sbarrier.arrive $0xFFFF  }
0x6b: {  	p0 =	sne.s32 s0, $0x0;
	_ =	strace $0x9000004D  }
0x6c: {  	s0 =	sadd.s32 @!p0 $0x100000, s1;
	[bflag:$0x2] =	sbarrier.arrive $0xFFFF  }
0x6d: {  	[sflag:s0] =	ssyncadd.tile.s32 @!p0 $0x1;
	_ =	shalt  }
.Lfunc_end2:
_tile_overlayer_lowered:
.L_overlay_start_2:
0x6e: {  	(tag) =	ssettag $0x2  }
0x6f: {  	s0 =	rddreg [dreg:$0x0];
	s2 =	stileid.u32  }
0x70: {  	s1 =	rddreg [dreg:$0x1];
	p0 =	sne.s32 s2, $0x0  }
0x71: {  	s3 =	rddreg [dreg:$0x2];
	[bflag:$0x3] =	sbarrier.arrive $0xFFFF;
	s2 =	simm.s32 @!p0 $0x1C06  }
0x72: {  	[timem:s3], [sflag:s2] =	dma.local @!p0 [hbm:s0], s1  }
0x73: {  	s0 =	simm.s32 @!p0 $0x6  }
0x74: {  	_ =	swait.ge @!p0 [sflag:s0], s1  }
0x75: {  	s1 =	ssub.s32 @!p0 $0x0, s1;
	[sflag:s0] =	ssyncset.done @!p0 $0x0  }
0x76: {  	[sflag:s0] =	ssyncadd.s32 @!p0 s1  }
0x77: {  	[bflag:$0x3] =	sbarrier.arrive $0xFFFF  }
0x78: {  	_ =	shalt  }

// kernel: kernel.8.cloned.1.call-start
scs
__scs_entry_jumppad:
0x0: {  	(pc) =	sbr.rel $0x88, $3  }
0x1: {  	(tag) =	ssettag $0x0;
	lr =	simm.s32 $0x1  }
0x2: {  	[smem:$0x3F99] =	sst lr;
	_ =	strace $0xD0000000  }
0x3: {  	_ = 	snop  }
0x4: {  	_ = 	snop  }
0x5: {  	_ = 	snop  }
0x6: {  	_ = 	snop  }
0x7: {  	_ = 	snop  }
__scs_overlays_trampoline_lowered:
0x8: {  	[smem:$0x3FA8] =	sst s0  }
0x9: {  	[smem:$0x3FA9] =	sst s1  }
0xa: {  	[smem:$0x3FAA] =	sst s2  }
0xb: {  	[smem:$0x3FAB] =	sst s3  }
0xc: {  	[smem:$0x3FAC] =	sst s4  }
0xd: {  	[smem:$0x3FAD] =	sst s5  }
0xe: {  	[smem:$0x3FAE] =	sst s6  }
0xf: {  	[smem:$0x3FAF] =	sst s7  }
0x10: {  	[smem:$0x3FB0] =	sst s8  }
0x11: {  	[smem:$0x3FB1] =	sst s9;
	s0 =	simm.s32 @!p0 $0x0  }
0x12: {  	s1 =	sld [smem:$0x3F97];
	s0 =	simm.s32 @p0 $0x1  }
0x13: {  	[smem:$0x3FB2] =	sst s0;
	s0 =	simm.s32 @!p1 $0x0  }
0x14: {  	s2 =	sld [smem:$0x3F96];
	s0 =	simm.s32 @p1 $0x1  }
0x15: {  	[smem:$0x3FB3] =	sst s0;
	s0 =	simm.s32 @!p2 $0x0  }
0x16: {  	s3 =	sld [smem:$0x3FDB];
	s0 =	simm.s32 @p2 $0x1  }
0x17: {  	s4 =	simm.s32 $0x1BF5;
	[smem:$0x3FB5] =	sst s0  }
0x18: {  	s0 =	sld [smem:$0x3F98];
	_ =	swait.ge [sflag:s4], $0x0  }
0x19: {  	s7 =	sld [smem:$0x3F99]  }
0x1a: {  	s8 =	sadd.s32 $0xFFFFE003, lr  }
0x1b: {  	s9 =	sadd.s32 $0xFFFFFEF7, lr;
	s5 =	simm.s32 $0xFFFFFFFF;
	p2 =	slt.u32 s8, $0xFFFFF086  }
0x1c: {  	p1 =	slt.u32 s9, $0xF7A;
	s5 =	simm.s32 @!p2 $0x0  }
0x1d: {  	s5 =	simm.s32 @p1 $0x1;
	p0 =	seq.s32 s7, s2  }
0x1e: {  	s7 =	smul.u32 @!p0 $0xF7A, s2;
	p2 =	seq.s32 @!p0 s5, $0x0  }
0x1f: {  	s9 =	smul.u32 $0xF7A, s1;
	s8 =	simm.s32 @!p0 $0x1BF5;
	p2 =	por !p2, p0  }
0x20: {  	[sflag:s8] =	ssyncset.s32 @!p0 $0xFFFFF086;
	s6 =	sadd.s32 @!p0 s3, s7;
	s7 =	simm.s32 @!p0 $0x108  }
0x21: {  	s3 =	sadd.s32 s3, s9;
	s6 =	sadd.s32 @!p0 $0x88, s6;
	s7 =	simm.s32 @p2 $0x1082  }
0x22: {  	[simem:s7], [sflag:s8] =	dma.local @!p0 [hbm:s6], $0xF7A  }
0x23: {  	s9 =	sor.u32 $0xD0000000, s2;
	s6 =	simm.s32 $0x108;
	_ =	swait.ge @!p0 [sflag:s8], $0x0  }
0x24: {  	s3 =	sadd.s32 $0x88, s3;
	s6 =	simm.s32 @!p1 $0x1082;
	[sflag:s4] =	ssyncset.s32 $0xFFFFF086  }
0x25: {  	[simem:s6], [sflag:s4] =	dma.local [hbm:s3], $0xF7A  }
0x26: {  	[smem:$0x3F99] =	sst s1;
	(tag) =	ssettag s2;
	_ =	strace s9  }
0x27: {  	s1 =	sld [smem:$0x3FA9]  }
0x28: {  	s2 =	sld [smem:$0x3FAA]  }
0x29: {  	s4 =	sld [smem:$0x3FAC]  }
0x2a: {  	p0 =	seq.s32 s5, $0x0;
	s5 =	sld [smem:$0x3FAD]  }
0x2b: {  	s6 =	sld [smem:$0x3FAE]  }
0x2c: {  	s7 =	sld [smem:$0x3FAF]  }
0x2d: {  	s3 =	simm.s32 $0x108;
	s8 =	sld [smem:$0x3FB0]  }
0x2e: {  	s3 =	simm.s32 @!p0 $0x1082;
	s9 =	sld [smem:$0x3FB1]  }
0x2f: {  	lr =	sadd.s32 s0, s3;
	s0 =	sld [smem:$0x3FA8]  }
0x30: {  	s3 =	sld [smem:$0x3FAB]  }
0x31: {  	[smem:$0x3FB4] =	sst s10  }
0x32: {  	s10 =	sld [smem:$0x3FB2];
	_ =	sdelay $0x3  }
0x33: {  	p0 =	seq.s32 s10, $0x1;
	s10 =	sld [smem:$0x3FB4];
	_ =	sdelay $0x3  }
0x34: {  	[smem:$0x3FB4] =	sst s10  }
0x35: {  	s10 =	sld [smem:$0x3FB3];
	_ =	sdelay $0x3  }
0x36: {  	p1 =	seq.s32 s10, $0x1;
	s10 =	sld [smem:$0x3FB4];
	_ =	sdelay $0x3  }
0x37: {  	[smem:$0x3FB4] =	sst s10  }
0x38: {  	s10 =	sld [smem:$0x3FB5]  }
0x39: {  	_ = 	snop;
	(pc) =	sbr.ind lr, $3  }
0x3a: {  	_ = 	snop  }
0x3b: {  	_ = 	snop  }
0x3c: {  	p2 =	seq.s32 s10, $0x1;
	s10 =	sld [smem:$0x3FB4]  }
0x3d: {  	_ =	shalt  }
0x3e: {  	_ =	shalt  }
0x3f: {  	_ =	shalt  }
0x40: {  	_ =	shalt  }
0x41: {  	_ =	shalt  }
0x42: {  	_ =	shalt  }
0x43: {  	_ =	shalt  }
0x44: {  	_ =	shalt  }
0x45: {  	_ =	shalt  }
0x46: {  	_ =	shalt  }
0x47: {  	_ =	shalt  }
0x48: {  	_ =	shalt  }
0x49: {  	_ =	shalt  }
0x4a: {  	_ =	shalt  }
0x4b: {  	_ =	shalt  }
0x4c: {  	_ =	shalt  }
0x4d: {  	_ =	shalt  }
0x4e: {  	_ =	shalt  }
0x4f: {  	_ =	shalt  }
0x50: {  	_ =	shalt  }
0x51: {  	_ =	shalt  }
0x52: {  	_ =	shalt  }
0x53: {  	_ =	shalt  }
0x54: {  	_ =	shalt  }
0x55: {  	_ =	shalt  }
0x56: {  	_ =	shalt  }
0x57: {  	_ =	shalt  }
0x58: {  	_ =	shalt  }
0x59: {  	_ =	shalt  }
0x5a: {  	_ =	shalt  }
0x5b: {  	_ =	shalt  }
0x5c: {  	_ =	shalt  }
0x5d: {  	_ =	shalt  }
0x5e: {  	_ =	shalt  }
0x5f: {  	_ =	shalt  }
0x60: {  	_ =	shalt  }
0x61: {  	_ =	shalt  }
0x62: {  	_ =	shalt  }
0x63: {  	_ =	shalt  }
0x64: {  	_ =	shalt  }
0x65: {  	_ =	shalt  }
0x66: {  	_ =	shalt  }
0x67: {  	_ =	shalt  }
0x68: {  	_ =	shalt  }
0x69: {  	_ =	shalt  }
0x6a: {  	_ =	shalt  }
0x6b: {  	_ =	shalt  }
0x6c: {  	_ =	shalt  }
0x6d: {  	_ =	shalt  }
0x6e: {  	_ =	shalt  }
0x6f: {  	_ =	shalt  }
0x70: {  	_ =	shalt  }
0x71: {  	_ =	shalt  }
0x72: {  	_ =	shalt  }
0x73: {  	_ =	shalt  }
0x74: {  	_ =	shalt  }
0x75: {  	_ =	shalt  }
0x76: {  	_ =	shalt  }
0x77: {  	_ =	shalt  }
0x78: {  	_ =	shalt  }
0x79: {  	_ =	shalt  }
0x7a: {  	_ =	shalt  }
0x7b: {  	_ =	shalt  }
0x7c: {  	_ =	shalt  }
0x7d: {  	_ =	shalt  }
0x7e: {  	_ =	shalt  }
0x7f: {  	_ =	shalt  }
0x80: {  	_ =	shalt  }
0x81: {  	_ =	shalt  }
0x82: {  	_ =	shalt  }
0x83: {  	_ =	shalt  }
0x84: {  	_ =	shalt  }
0x85: {  	_ =	shalt  }
0x86: {  	_ =	shalt  }
0x87: {  	_ =	shalt  }
.Lfunc_end0:
.L_simem_size_0:
called_computation_lowered:
.L_overlay_start_0:
0x88: {  	s2 =	sld [smem:$0x3FD9]  }
0x89: {  	s3 =	sld [smem:$0x3FFE];
	_ =	sdelay $0x1  }
0x8a: {  	s1 =	srdreg.scid  }
0x8b: {  	s0 =	sand.u32 $0x1, s1  }
0x8c: {  	s14 =	sshll.u32 s0, $0xA;
	s2 =	sadd.s32 s3, s2  }
0x8d: {  	s2 =	sadd.s32 s2, s14  }
0x8e: {  	[smem:$0x3FC0] =	sst s2  }
0x8f: {  	_ = 	snop  }
0x90: {  	s2 =	sld [smem:$0x3FD0];
	_ =	sdelay $0x2  }
0x91: {  	s15 =	simm.s32 $0xA;
	s4 =	simm.s32 $0x10  }
0x92: {  	[smem:s4], [sflag:s15] =	dma.local [hbm:s2], $0x1  }
0x93: {  	_ =	swait.eq [sflag:s15], $0x1  }
0x94: {  	[sflag:s15] =	ssyncset.done $0x0  }
0x95: {  	s16 =	sld [smem:$0x10];
	[sflag:s15] =	ssyncadd.s32 $0xFFFFFFFF  }
0x96: {  	s17 =	sld [smem:$0x11];
	(tm) =	ssettm $0x1  }
0x97: {  	s18 =	sld [smem:$0x3FFB];
	_ =	sdelay $0x3  }
0x98: {  	_ =	strace s18  }
0x99: {  	s4 =	sld [smem:$0x3FFC];
	_ =	sdelay $0x3  }
0x9a: {  	_ =	strace s4  }
0x9b: {  	s4 =	sld [smem:$0x3FFD];
	_ =	sdelay $0x3  }
0x9c: {  	_ =	strace s4  }
0x9d: {  	_ =	strace $0x8FFFFFFF  }
0x9e: {  	s19 =	sld [smem:$0x3FDB];
	_ =	sdelay $0x1  }
0x9f: {  	s5 =	simm.s32 $_scs_section_size  }
0xa0: {  	s6 =	simm.s32 $_size__tile_overlayer_lowered;
	s7 =	simm.s32 $_tile_overlayer_lowered  }
0xa1: {  	s22 =	simm.s32 $0x1BFF;
	s21 =	sshll.u32 s7, $0x1;
	s4 =	sadd.s32 s5, s19  }
0xa2: {  	s8 =	simm.s32 $0x0;
	s20 =	sshll.u32 s6, $0x1;
	s6 =	sadd.s32 s21, s4  }
0xa3: {  	[timem:s8], [sflag:s22] =	dma.local [hbm:s6], s20  }
0xa4: {  	_ =	swait.ge [sflag:s22], s20  }
0xa5: {  	s5 =	ssub.s32 $0x0, s20;
	[sflag:s22] =	ssyncset.done $0x0  }
0xa6: {  	[sflag:s22] =	ssyncadd.s32 s5;
	_ =	sdelay $0x1  }
0xa7: {  	s23 =	simm.s32 $0x1B8B  }
0xa8: {  	_ =	swait.ge [sflag:s23], $0x1  }
0xa9: {  	[sflag:s23] =	ssyncset.done $0x0  }
0xaa: {  	s25 =	simm.s32 $0x1B8E;
	s24 =	sld [smem:$0x3FFE];
	[sflag:s23] =	ssyncadd.s32 $0xFFFFFFFF  }
0xab: {  	s26 =	simm.s32 $execute0_lowered;
	[smem:$0x3FD2] =	sst s25  }
0xac: {  	s6 =	sshll.u32 s26, $0x1;
	_ =	strace $0x80000046;
	[dreg:$0x1] =	wrdreg $0xFFFFFFFF  }
0xad: {  	s28 =	simm.s32 $_size_execute0_lowered;
	s4 =	sadd.s32 s4, s6;
	[dreg:$0x0] =	wrdreg $0x0  }
0xae: {  	s6 =	sshll.u32 s28, $0x1;
	[dreg:$0x2] =	wrdreg s4  }
0xaf: {  	[dreg:$0x3] =	wrdreg s6  }
0xb0: {  	[dreg:$0x4] =	wrdreg $0xC0  }
0xb1: {  	_ =	task [dreg:s8], $0x5FFFF  }
0xb2: {  	[dreg:$0x1] =	wrdreg $0xFFFFFFFF  }
0xb3: {  	[dreg:$0x0] =	wrdreg $0x60  }
0xb4: {  	[dreg:$0x2] =	wrdreg s24  }
0xb5: {  	[dreg:$0x3] =	wrdreg s16  }
0xb6: {  	[dreg:$0x4] =	wrdreg s17  }
0xb7: {  	[dreg:$0x5] =	wrdreg $0x41000  }
0xb8: {  	[dreg:$0x6] =	wrdreg $0x9  }
0xb9: {  	_ =	task.clear_ibuf [dreg:s8], $0x7FFFF;
	_ =	strace $0x90000046  }
0xba: {  	s29 =	simm.s32 $0x9;
	_ =	strace $0x80000048  }
0xbb: {  	_ =	swait.ge [sflag:s29], $0x1  }
0xbc: {  	[sflag:s29] =	ssyncadd.s32 $0xFFFFFFFF  }
0xbd: {  	_ =	strace $0x90000048  }
0xbe: {  	_ =	sfence  }
0xbf: {  	s30 =	sld [smem:$0x0];
	_ =	sdelay $0x2  }
0xc0: {  	s31 =	sshll.u32 s1, $0xD;
	s1 =	sshrl.u32 s1, $0x2  }
0xc1: {  	s3 =	sand.u32 $0x4000, s31;
	s1 =	sadd.s32 s1, s30  }
0xc2: {  	s0 =	sor.u32 s3, s0;
	s1 =	sshll.u32 s1, $0x11  }
0xc3: {  	s0 =	sor.u32 s1, s0  }
0xc4: {  	s0 =	sadd.s32 $0x8F2B, s0  }
0xc5: {  	[sflag:s0] =	ssyncadd.remote.s32 $0x1  }
0xc6: {  	_ =	sfence.sel $0xFFFF  }
0xc7: {  	[dreg:$0x0] =	wrdreg $0xFFFFFFFF;
	(pc) =	sbr.abs _section_cstart, $3  }
0xc8: {  	[dreg:$0x1] =	wrdreg $0xFFFFFFFF  }
0xc9: {  	_ =	task.clear_ibuf [dreg:s8], $0x2FFFF;
	_ =	strace $0x9FFFFFFF  }
0xca: {  	(tm) =	ssettm $0x7FFFFFFF  }
0xcb: {  	_ =	shalt  }
tec
execute0_lowered:
.L_overlay_start_1:
0x0: {  	(tag) =	ssettag $0x1  }
0x1: {  	s7 =	rddreg [dreg:$0x0]  }
0x2: {  	s2 =	srdreg.scid;
	s1 =	rddreg [dreg:$0x1]  }
0x3: {  	s0 =	stileid.u32;
	s3 =	rddreg [dreg:$0x2]  }
0x4: {  	s4 =	rddreg [dreg:$0x3];
	s5 =	simm.s32 $0x0;
	s8 =	smul.u32 $0x5000, s0  }
0x5: {  	s14 =	simm.s32 $0x80;
	s15 =	simm.s32 $0x2;
	s11 =	smul.u32 $0x13C00, s0  }
0x6: {  	s16 =	simm.s32 $0x3;
	s6 =	sand.u32 $0x1, s2;
	s28 =	smul.u32 $0x4F000, s0  }
0x7: {  	s17 =	simm.s32 $0x1;
	s2 =	rddreg [dreg:$0x4];
	s9 =	smul.u32 $0x2800, s6  }
0x8: {  	s18 =	simm.s32 $0x0;
	[smem:$0x7FF] =	sst s5;
	s10 =	smul.u32 $0x13C000, s6  }
0x9: {  	s12 =	sshll.u32 s0, $0x6;
	_ =	strace $0x80000047;
	s6 =	ssub.s32 $0x2, s6  }
0xa: {  	s31 =	sshrl.u32 s6, $0x1;
	s8 =	sadd.s32 s9, s8;
	s26 =	sadd.s32 s11, s10  }
0xb: {  	s10 =	sshrl.u32 s28, $0x2;
	s8 =	sshrl.u32 s8, $0x2;
	s9 =	sshrl.u32 s26, $0x3  }
0xc: {  	s13 =	sadd.s32 s10, s4;
	s29 =	sadd.s32 s8, s7;
	s30 =	sadd.s32 s9, s7  }
0xd: {  	s9 =	ssub.s32 s6, s31;
	s6 =	sor.u32 $0x1C04, s12;
	s7 =	sadd.s32 $0x177F0, s7  }
0xe: {  	s11 =	sshrl.u32 s13, $0x3;
	s12 =	simm.s32 $0x4;
	s13 =	simm.s32 $0x100  }
0xf: {  	s8 =	sadd.s32 $0x17800, s30;
	s9 =	smax.u32 s9, $0x1;
	s10 =	sadd.s32 $0x3800, s29  }
.LBB2_1:
0x10: {  	[spmem:s11], [sflag:s6] =	dma.local [hbm:s3], $0x2780  }
0x11: {  	_ =	swait.ge [sflag:s12], $0x2780  }
0x12: {  	[sflag:s12] =	ssyncset.done $0x0  }
0x13: {  	[sflag:s12] =	ssyncadd.s32 $0xFFFFD880  }
0x14: {  	[tilespmem:s13], [sflag:$0x4] =	stream.linear.gather [hbm4b:s1+s5], $0x4000, $0x38;
	[tilespmem:$0x17D00] =	vst v63  }
0x15: {  	_ =	swait.ge [sflag:s12], $0x4000  }
0x16: {  	[sflag:s12] =	ssyncset.done $0x0  }
0x17: {  	[sflag:s12] =	ssyncadd.s32 $0xFFFFC000  }
0x18: {  	[bflag:$0x0] =	sbarrier.arrive $0xFFFF  }
0x19: {  	[tilespmem:s14], [sflag:$0x2] =	stream.linear.gather [hbm4b:s7+s5], $0x80, $0x38;
	[tilespmem:$0x17D00] =	vst v63  }
0x1a: {  	_ =	swait.ge [sflag:s15], $0x80  }
0x1b: {  	[sflag:s15] =	ssyncset.done $0x0  }
0x1c: {  	s19 =	sadd.s32 $0xFFFFF600, s10;
	[sflag:s15] =	ssyncadd.s32 $0xFFFFFF80  }
0x1d: {  	[spmem:s4] =	stream.indirect.scatter.add.f32 [tilespmem:s13], [sflag:$0x3], $0x80, s14, s14, $0xb8;
	[tilespmem:$0x17D00] =	vst v63  }
0x1e: {  	s20 =	sadd.s32 $0xA10, s19  }
0x1f: {  	[tilespmem:s5], [sflag:$0x1] =	stream.linear.gather [hbm4b:s20+s5], $0x80, $0x38;
	[tilespmem:$0x17D00] =	vst v63  }
0x20: {  	_ =	swait.ge [sflag:s16], $0x4000  }
0x21: {  	[sflag:s16] =	ssyncset.done $0x0  }
0x22: {  	s19 =	sadd.s32 $0xA30, s19;
	[sflag:s16] =	ssyncadd.s32 $0xFFFFC000  }
0x23: {  	[tilespmem:s14], [sflag:$0x2] =	stream.linear.gather [hbm4b:s19+s5], $0x80, $0x38;
	[tilespmem:$0x17D00] =	vst v63  }
0x24: {  	_ =	swait.ge [sflag:s17], $0x80  }
0x25: {  	[sflag:s17] =	ssyncset.done $0x0  }
0x26: {  	[sflag:s17] =	ssyncadd.s32 $0xFFFFFF80  }
0x27: {  	[spmem:s4] =	stream.indirect.scatter.add.f32 [tilespmem:s13], [sflag:$0x3], $0x80, s5, s14, $0xb8;
	[tilespmem:$0x17D00] =	vst v63  }
0x28: {  	_ =	swait.ge [sflag:s15], $0x80  }
0x29: {  	[sflag:s15] =	ssyncset.done $0x0  }
0x2a: {  	[sflag:s15] =	ssyncadd.s32 $0xFFFFFF80  }
0x2b: {  	_ =	swait.ge [sflag:s16], $0x4000  }
0x2c: {  	[sflag:s16] =	ssyncset.done $0x0  }
0x2d: {  	s20 =	simm.s32 $0xFFFFF680;
	s19 =	sadd.s32 $0xFFFFF640, s10;
	[sflag:s16] =	ssyncadd.s32 $0xFFFFC000  }
.LBB2_2:
0x2e: {  	[spmem:s4] =	stream.indirect.scatter.add.f32 [tilespmem:s13], [sflag:$0x3], $0x80, s14, s14, $0xb8;
	[tilespmem:$0x17D00] =	vst v63  }
0x2f: {  	s21 =	smov.u32 s20  }
0x30: {  	s22 =	sadd.s32 $0x40, s20;
	s23 =	sadd.s32 $0xA10, s19;
	s21 =	sadd.s32 s21, s10  }
0x31: {  	[tilespmem:s5], [sflag:$0x1] =	stream.linear.gather [hbm4b:s23+s5], $0x80, $0x38;
	[tilespmem:$0x17D00] =	vst v63  }
0x32: {  	p0 =	sne.s32 s20, $0xFFFFFFC0;
	_ =	swait.ge [sflag:s16], $0x4000  }
0x33: {  	[sflag:s16] =	ssyncset.done $0x0  }
0x34: {  	s20 =	sadd.s32 $0xA30, s19;
	s19 =	smov.u32 s21;
	[sflag:s16] =	ssyncadd.s32 $0xFFFFC000  }
0x35: {  	[tilespmem:s14], [sflag:$0x2] =	stream.linear.gather [hbm4b:s20+s5], $0x80, $0x38;
	[tilespmem:$0x17D00] =	vst v63  }
0x36: {  	_ =	swait.ge [sflag:s17], $0x80  }
0x37: {  	[sflag:s17] =	ssyncset.done $0x0  }
0x38: {  	[sflag:s17] =	ssyncadd.s32 $0xFFFFFF80  }
0x39: {  	[spmem:s4] =	stream.indirect.scatter.add.f32 [tilespmem:s13], [sflag:$0x3], $0x80, s5, s14, $0xb8;
	[tilespmem:$0x17D00] =	vst v63  }
0x3a: {  	_ =	swait.ge [sflag:s15], $0x80  }
.Ltmp0:
0x3b: {  	[sflag:s15] =	ssyncset.done $0x0;
	(pc) =	sbr.rel @p0 .LBB2_2-.Ltmp0, $4  }
0x3c: {  	[sflag:s15] =	ssyncadd.s32 $0xFFFFFF80  }
0x3d: {  	_ =	swait.ge [sflag:s16], $0x4000  }
0x3e: {  	[sflag:s16] =	ssyncset.done $0x0  }
0x3f: {  	s20 =	smov.u32 s22;
	[sflag:s16] =	ssyncadd.s32 $0xFFFFC000  }
0x40: {  	[spmem:s4] =	stream.indirect.scatter.add.f32 [tilespmem:s13], [sflag:$0x3], $0x80, s14, s14, $0xb8;
	[tilespmem:$0x17D00] =	vst v63  }
0x41: {  	s20 =	sadd.s32 $0xA10, s19  }
0x42: {  	[tilespmem:s5], [sflag:$0x1] =	stream.linear.gather [hbm4b:s20+s5], $0x80, $0x38;
	[tilespmem:$0x17D00] =	vst v63  }
0x43: {  	_ =	swait.ge [sflag:s16], $0x4000  }
0x44: {  	[sflag:s16] =	ssyncset.done $0x0  }
0x45: {  	s31 =	sadd.s32 $0xA30, s19;
	[sflag:s16] =	ssyncadd.s32 $0xFFFFC000  }
0x46: {  	[tilespmem:s14], [sflag:$0x2] =	stream.linear.gather [hbm4b:s31+s5], $0x80, $0x38;
	[tilespmem:$0x17D00] =	vst v63  }
0x47: {  	_ =	swait.ge [sflag:s17], $0x80  }
0x48: {  	[sflag:s17] =	ssyncset.done $0x0  }
0x49: {  	[sflag:s17] =	ssyncadd.s32 $0xFFFFFF80  }
0x4a: {  	[spmem:s4] =	stream.indirect.scatter.add.f32 [tilespmem:s13], [sflag:$0x3], $0x80, s5, s14, $0xb8;
	[tilespmem:$0x17D00] =	vst v63  }
0x4b: {  	_ =	swait.ge [sflag:s15], $0x80  }
0x4c: {  	[sflag:s15] =	ssyncset.done $0x0  }
0x4d: {  	[sflag:s15] =	ssyncadd.s32 $0xFFFFFF80  }
0x4e: {  	_ =	swait.ge [sflag:s16], $0x4000  }
0x4f: {  	[sflag:s16] =	ssyncset.done $0x0  }
0x50: {  	[sflag:s16] =	ssyncadd.s32 $0xFFFFC000  }
0x51: {  	[spmem:s4] =	stream.indirect.scatter.add.f32 [tilespmem:s13], [sflag:$0x3], $0x80, s14, s14, $0xb8;
	[tilespmem:$0x17D00] =	vst v63  }
0x52: {  	_ =	swait.ge [sflag:s16], $0x4000  }
0x53: {  	s18 =	sadd.s32 $0x1, s18;
	[sflag:s16] =	ssyncset.done $0x0  }
0x54: {  	p0 =	sne.s32 s18, s9;
	[sflag:s16] =	ssyncadd.s32 $0xFFFFC000  }
.Ltmp1:
0x55: {  	[bflag:$0x0] =	sbarrier.arrive $0xFFFF;
	(pc) =	sbr.rel @p0 .LBB2_1-.Ltmp1, $4  }
0x56: {  	[hbm:s8], [sflag:s6] =	dma.local [spmem:s11], $0x2780  }
0x57: {  	_ =	swait.ge [sflag:s12], $0x2780  }
0x58: {  	[sflag:s12] =	ssyncset.done $0x0  }
0x59: {  	[sflag:s12] =	ssyncadd.s32 $0xFFFFD880  }
0x5a: {  	_ =	sfence.sel $0x180000  }
0x5b: {  	[bflag:$0x0] =	sbarrier.arrive $0xFFFF  }
0x5c: {  	p0 =	sne.s32 s0, $0x0;
	_ =	strace $0x90000047  }
0x5d: {  	s0 =	sadd.s32 @!p0 $0x100000, s2;
	[bflag:$0x2] =	sbarrier.arrive $0xFFFF  }
0x5e: {  	[sflag:s0] =	ssyncadd.tile.s32 @!p0 $0x1;
	_ =	shalt  }
.Lfunc_end2:
_tile_overlayer_lowered:
.L_overlay_start_2:
0x5f: {  	(tag) =	ssettag $0x2  }
0x60: {  	s0 =	rddreg [dreg:$0x0];
	s2 =	stileid.u32  }
0x61: {  	s1 =	rddreg [dreg:$0x1];
	p0 =	sne.s32 s2, $0x0  }
0x62: {  	s3 =	rddreg [dreg:$0x2];
	[bflag:$0x3] =	sbarrier.arrive $0xFFFF;
	s2 =	simm.s32 @!p0 $0x1C04  }
0x63: {  	[timem:s3], [sflag:s2] =	dma.local @!p0 [hbm:s0], s1  }
0x64: {  	s0 =	simm.s32 @!p0 $0x4  }
0x65: {  	_ =	swait.ge @!p0 [sflag:s0], s1  }
0x66: {  	s1 =	ssub.s32 @!p0 $0x0, s1;
	[sflag:s0] =	ssyncset.done @!p0 $0x0  }
0x67: {  	[sflag:s0] =	ssyncadd.s32 @!p0 s1  }
0x68: {  	[bflag:$0x3] =	sbarrier.arrive $0xFFFF  }
0x69: {  	_ =	shalt  }

</sc_bundles>
